<compile_context>
chip_gen: v7x
topology: tpu7x:2x2x1
jax: 0.10.2.dev20260603
libtpu: 0.0.44.dev20260713+nightly
codegen_flags: <defaults>
</compile_context>

<pallas_src>
import functools

import jax
import jax.numpy as jnp
from jax import lax
from jax.experimental import pallas as pl
from jax.experimental.pallas import tpu as pltpu
from jax.experimental.pallas import tpu_sc as plsc

N, E, D, P = 10000, 320000, 128, 12

NC, NS, LANES = 2, 16, 16
NW = NC * NS
CHUNK = 128
CPT = 80
E_PAD = NW * CPT * CHUNK
ROWS_PER_SUB = 640
N_PAD = NS * ROWS_PER_SUB
DUMMY_ROW = N_PAD - 8
CW = 128

_mesh = plsc.VectorSubcoreMesh(core_axis_name="c", subcore_axis_name="s")


NBUF = 4
GCH = 64
GPT = (CPT * CHUNK) // GCH


def _make_sc_aggregate():
    out_types = jax.ShapeDtypeStruct((NC, N_PAD, D), jnp.float32)
    scratch = ([pltpu.VMEM((CPT * CHUNK,), jnp.int32)]
               + [pltpu.VMEM((GCH,), jnp.int32) for _ in range(NBUF)]
               + [pltpu.VMEM((GCH, D), jnp.float32) for _ in range(NBUF)]
               + [pltpu.VMEM_SHARED((N_PAD, D), jnp.float32)]
               + [pltpu.SemaphoreType.DMA for _ in range(2 * NBUF)])

    @functools.partial(pl.kernel, out_type=out_types, mesh=_mesh,
                       scratch_types=scratch)
    def sc_kernel(h_hbm, src_hbm, dst_hbm, z_hbm, pp, srcall, *rest):
        dstb = rest[0:NBUF]
        rows = rest[NBUF:2 * NBUF]
        acc = rest[2 * NBUF]
        sg = rest[2 * NBUF + 1:2 * NBUF + 1 + NBUF]
        sd = rest[2 * NBUF + 1 + NBUF:]

        cid = lax.axis_index("c")
        sid = lax.axis_index("s")
        wid = sid * NC + cid
        base = sid * ROWS_PER_SUB
        ebase = wid * CPT * CHUNK

        pltpu.sync_copy(src_hbm.at[pl.ds(ebase, CPT * CHUNK)], srcall)
        pltpu.sync_copy(z_hbm, acc.at[pl.ds(base, ROWS_PER_SUB)])

        def issue(i, b):
            pltpu.async_copy(dst_hbm.at[pl.ds(ebase + i * GCH, GCH)],
                             dstb[b], sd[b])
            pltpu.async_copy(h_hbm.at[srcall.at[pl.ds(i * GCH, GCH)]],
                             rows[b], sg[b])

        for b in range(NBUF):
            issue(b, b)
        plsc.subcore_barrier()

        @pl.loop(0, GPT // NBUF)
        def _(j):
            i0 = j * NBUF
            for b in range(NBUF):
                i = i0 + b
                pltpu.make_async_copy(dst_hbm.at[pl.ds(0, GCH)],
                                      dstb[b], sd[b]).wait()
                pltpu.make_async_copy(h_hbm.at[pl.ds(0, GCH)],
                                      rows[b], sg[b]).wait()
                pltpu.sync_copy(rows[b], acc.at[dstb[b]], add=True)

                @pl.when(i + NBUF < GPT)
                def _():
                    issue(i + NBUF, b)

        plsc.subcore_barrier()
        pltpu.sync_copy(acc.at[pl.ds(base, ROWS_PER_SUB)],
                        pp.at[cid, pl.ds(base, ROWS_PER_SUB)])

    return sc_kernel


CNB = 2


def _make_sc_count():
    out_types = jax.ShapeDtypeStruct((NC, N_PAD, CW), jnp.float32)
    scratch = ([pltpu.VMEM((GCH,), jnp.int32) for _ in range(CNB)]
               + [pltpu.VMEM((GCH, CW), jnp.float32),
                  pltpu.VMEM_SHARED((N_PAD, CW), jnp.float32)]
               + [pltpu.SemaphoreType.DMA for _ in range(CNB)])

    @functools.partial(pl.kernel, out_type=out_types, mesh=_mesh,
                       scratch_types=scratch)
    def sc_kernel(dst_hbm, ones_hbm, zc_hbm, cc, *rest):
        dstb = rest[0:CNB]
        ones = rest[CNB]
        cnt = rest[CNB + 1]
        sd = rest[CNB + 2:]

        cid = lax.axis_index("c")
        sid = lax.axis_index("s")
        wid = sid * NC + cid
        base = sid * ROWS_PER_SUB
        ebase = wid * CPT * CHUNK

        pltpu.sync_copy(ones_hbm, ones)
        pltpu.sync_copy(zc_hbm, cnt.at[pl.ds(base, ROWS_PER_SUB)])

        def issue(i, b):
            pltpu.async_copy(dst_hbm.at[pl.ds(ebase + i * GCH, GCH)],
                             dstb[b], sd[b])

        for b in range(CNB):
            issue(b, b)
        plsc.subcore_barrier()

        @pl.loop(0, GPT // CNB)
        def _(j):
            i0 = j * CNB
            for b in range(CNB):
                i = i0 + b
                pltpu.make_async_copy(dst_hbm.at[pl.ds(0, GCH)],
                                      dstb[b], sd[b]).wait()
                pltpu.sync_copy(ones, cnt.at[dstb[b]], add=True)

                @pl.when(i + CNB < GPT)
                def _():
                    issue(i + CNB, b)

        plsc.subcore_barrier()
        pltpu.sync_copy(cnt.at[pl.ds(base, ROWS_PER_SUB)],
                        cc.at[cid, pl.ds(base, ROWS_PER_SUB)])

    return sc_kernel


_sc_aggregate = _make_sc_aggregate()
_sc_count = _make_sc_count()

BM = 1000


def _dot(a, w):
    return lax.dot_general(a, w, (((1,), (1,)), ((), ())),
                           precision=lax.Precision.DEFAULT)


def _row_spec(bm, d):
    return pl.BlockSpec((bm, d), lambda i: (i, 0))


def _full_spec(shape):
    return pl.BlockSpec(shape, lambda i: tuple(0 for _ in shape))


def _tc_matmul_body(h, wr, b, o):
    o[...] = _dot(h[...], wr[...]) + b[...]


def _tc_matmul(h, wr, b):
    return pl.pallas_call(
        _tc_matmul_body,
        grid=(N // BM,),
        in_specs=[_row_spec(BM, D), _full_spec((D, D)), _full_spec((1, D))],
        out_specs=_row_spec(BM, D),
        out_shape=jax.ShapeDtypeStruct((N, D), jnp.float32),
    )(h, wr, b.reshape(1, D))


def _tc_combine_body(p0, p1, c0, c1, m2, wl, o):
    invc = 1.0 / jnp.maximum(c0[:, 0:1] + c1[:, 0:1], 1.0)
    hp = invc * _dot(p0[...] + p1[...], wl[...])
    o[...] = jnp.maximum(hp + m2[...], 0.0)


def _tc_combine(p0, p1, c0, c1, m2, wl):
    return pl.pallas_call(
        _tc_combine_body,
        grid=(N // BM,),
        in_specs=[_row_spec(BM, D), _row_spec(BM, D),
                  _row_spec(BM, CW), _row_spec(BM, CW),
                  _row_spec(BM, D), _full_spec((D, D))],
        out_specs=_row_spec(BM, D),
        out_shape=jax.ShapeDtypeStruct((N, D), jnp.float32),
    )(p0, p1, c0, c1, m2, wl)


def _tc_combine2_body(p0, p1, c0, c1, m2, wl, wout, bout, o):
    invc = 1.0 / jnp.maximum(c0[:, 0:1] + c1[:, 0:1], 1.0)
    h2 = jnp.maximum(invc * _dot(p0[...] + p1[...], wl[...]) + m2[...], 0.0)
    o[...] = _dot(h2, wout[...]) + bout[...]


def _tc_combine2(p0, p1, c0, c1, m2, wl, wout, bout):
    return pl.pallas_call(
        _tc_combine2_body,
        grid=(N // BM,),
        in_specs=[_row_spec(BM, D), _row_spec(BM, D),
                  _row_spec(BM, CW), _row_spec(BM, CW),
                  _row_spec(BM, D), _full_spec((D, D)),
                  _full_spec((P, D)), _full_spec((1, P))],
        out_specs=_row_spec(BM, P),
        out_shape=jax.ShapeDtypeStruct((N, P), jnp.float32),
    )(p0, p1, c0, c1, m2, wl, wout, bout.reshape(1, P))


def kernel(x, edge_index, Wl1, Wr1, b1, Wl2, Wr2, b2, Wout, bout):
    src = edge_index[0]
    dst = edge_index[1]
    pad = E_PAD - E
    ar = jnp.arange(pad, dtype=jnp.int32)
    src_p = jnp.concatenate([src, ar % N])
    dst_p = jnp.concatenate([dst, N + 8 + (ar % (N_PAD - N - 16))])

    zrows = jnp.zeros((ROWS_PER_SUB, D), jnp.float32)
    ones_cw = jnp.ones((GCH, CW), jnp.float32)
    zc_cw = jnp.zeros((ROWS_PER_SUB, CW), jnp.float32)
    m2 = _tc_matmul(x, Wr1, b1)
    cc = _sc_count(dst_p, ones_cw, zc_cw)
    pp = _sc_aggregate(x, src_p, dst_p, zrows)
    h1 = _tc_combine(pp[0], pp[1], cc[0], cc[1], m2, Wl1)
    m2b = _tc_matmul(h1, Wr2, b2)
    qq = _sc_aggregate(h1, src_p, dst_p, zrows)
    out = _tc_combine2(qq[0], qq[1], cc[0], cc[1], m2b, Wl2, Wout, bout)
    return out

# --- scband reference (transcript-rebuilt; emitter-appended) ---
"""Pipeline reference for scband-gsagewrapper-34041910788824 (READ-ONLY COPY).

The authoritative reference and input builder live on the scoring server;
editing this copy changes nothing except your own understanding.
"""

import jax, jax.numpy as jnp
import numpy as np

N, E, D, P = 10000, 320000, 128, 12


def setup_inputs(seed: int = 0) -> dict:
    key = jax.random.key(seed)
    ks = jax.random.split(key, 10)
    x = jax.random.normal(ks[0], (N, D), dtype=jnp.float32)
    edge_index = jax.random.randint(ks[1], (2, E), 0, N, dtype=jnp.int32)
    s = 1.0 / np.sqrt(D)
    Wl1 = jax.random.normal(ks[2], (D, D), dtype=jnp.float32) * s
    Wr1 = jax.random.normal(ks[3], (D, D), dtype=jnp.float32) * s
    b1 = jnp.zeros((D,), dtype=jnp.float32)
    Wl2 = jax.random.normal(ks[4], (D, D), dtype=jnp.float32) * s
    Wr2 = jax.random.normal(ks[5], (D, D), dtype=jnp.float32) * s
    b2 = jnp.zeros((D,), dtype=jnp.float32)
    Wout = jax.random.normal(ks[6], (P, D), dtype=jnp.float32) * s
    bout = jnp.zeros((P,), dtype=jnp.float32)
    return {"x": x, "edge_index": edge_index, "Wl1": Wl1, "Wr1": Wr1, "b1": b1,
            "Wl2": Wl2, "Wr2": Wr2, "b2": b2, "Wout": Wout, "bout": bout}


def _sage_conv(h, edge_index, Wl, Wr, b):
    # PyG SAGEConv with mean aggregation:
    # out = W_l @ mean_{j in N(i)} h_j + W_r @ h_i + b
    src = edge_index[0]
    dst = edge_index[1]
    msg = jnp.take(h, src, axis=0)                                   # gather [E, D]
    summed = jax.ops.segment_sum(msg, dst, num_segments=N)           # scatter-add [N, D]
    cnt = jax.ops.segment_sum(jnp.ones((edge_index.shape[1],), h.dtype), dst, num_segments=N)
    mean = summed / jnp.clip(cnt, 1.0)[:, None]
    return mean @ Wl.T + h @ Wr.T + b


def reference(x, edge_index, Wl1, Wr1, b1, Wl2, Wr2, b2, Wout, bout):
    # SAGE block 1: SAGEConv + ReLU (element=2)
    h = _sage_conv(x, edge_index, Wl1, Wr1, b1)
    h = jax.nn.relu(h)
    # SAGE block 2: SAGEConv + ReLU
    h = _sage_conv(h, edge_index, Wl2, Wr2, b2)
    h = jax.nn.relu(h)
    # MLP output head -> [N, pred_len]
    out = h @ Wout.T + bout
    return out

if __name__ == "__main__":
    import jax
    _d = setup_inputs()
    print(jax.jit(kernel)(*tuple(_d.values())))

</pallas_src>

<mosaic_0001>
#map = affine_map<(d0, d1) -> (0, 0)>
#map1 = affine_map<(d0, d1) -> (0)>
#map2 = affine_map<(d0, d1) -> (0, 0, 0)>
module attributes {stable_mosaic.version = 14 : i64} {
  func.func @sc_kernel(%arg0: i32, %arg1: i32, %arg2: memref<10000x128xf32, #tpu.memory_space<hbm>>, %arg3: memref<327680xi32, #tpu.memory_space<hbm>>, %arg4: memref<327680xi32, #tpu.memory_space<hbm>>, %arg5: memref<640x128xf32, #tpu.memory_space<hbm>>, %arg6: memref<2x10240x128xf32, #tpu.memory_space<hbm>>, %arg7: memref<10240xi32, #tpu.memory_space<vmem>>, %arg8: memref<64xi32, #tpu.memory_space<vmem>>, %arg9: memref<64xi32, #tpu.memory_space<vmem>>, %arg10: memref<64xi32, #tpu.memory_space<vmem>>, %arg11: memref<64xi32, #tpu.memory_space<vmem>>, %arg12: memref<64x128xf32, #tpu.memory_space<vmem>>, %arg13: memref<64x128xf32, #tpu.memory_space<vmem>>, %arg14: memref<64x128xf32, #tpu.memory_space<vmem>>, %arg15: memref<64x128xf32, #tpu.memory_space<vmem>>, %arg16: memref<10240x128xf32, #tpu.memory_space<vmem_shared>>, %arg17: memref<!tpu.dma_semaphore, #tpu.memory_space<semaphore_mem>>, %arg18: memref<!tpu.dma_semaphore, #tpu.memory_space<semaphore_mem>>, %arg19: memref<!tpu.dma_semaphore, #tpu.memory_space<semaphore_mem>>, %arg20: memref<!tpu.dma_semaphore, #tpu.memory_space<semaphore_mem>>, %arg21: memref<!tpu.dma_semaphore, #tpu.memory_space<semaphore_mem>>, %arg22: memref<!tpu.dma_semaphore, #tpu.memory_space<semaphore_mem>>, %arg23: memref<!tpu.dma_semaphore, #tpu.memory_space<semaphore_mem>>, %arg24: memref<!tpu.dma_semaphore, #tpu.memory_space<semaphore_mem>>) attributes {dimension_semantics = [#tpu.dimension_semantics<core_parallel>, #tpu.dimension_semantics<subcore_parallel>], iteration_bounds = array<i64: 2, 16>, scalar_prefetch = 0 : i64, scratch_operands = 18 : i64, tpu.core_type = #tpu.core_type<sc_vector_subcore>, window_params = [{transform_indices = #map}, {transform_indices = #map1}, {transform_indices = #map1}, {transform_indices = #map}, {transform_indices = #map2}]} {
    %mul3A = arith.constant 2 : i32
    %mul3A_0 = arith.muli %arg1, %mul3A : i32
    %add3A = arith.addi %mul3A_0, %arg0 : i32
    %mul3A_1 = arith.constant 640 : i32
    %mul3A_2 = arith.muli %arg1, %mul3A_1 : i32
    %mul3A_3 = arith.constant 80 : i32
    %mul3A_4 = arith.muli %add3A, %mul3A_3 : i32
    %mul3A_5 = arith.constant 128 : i32
    %mul3A_6 = arith.muli %mul3A_4, %mul3A_5 : i32
    "tpu.region"() ({
      %run_scoped3A = tpu.sem_alloc : memref<!tpu.dma_semaphore, #tpu.memory_space<semaphore_mem>>
      %dma_start3A_47 = tpu.memref_slice %arg3[%mul3A_6] : memref<327680xi32, #tpu.memory_space<hbm>> -> memref<10240xi32, #tpu.memory_space<hbm>>
      %dma_start3A_48 = tpu.memref_slice %arg3[%mul3A_6] : memref<327680xi32, #tpu.memory_space<hbm>> -> memref<10240xi32, #tpu.memory_space<hbm>>
      tpu.enqueue_dma source(%dma_start3A_48 : memref<10240xi32, #tpu.memory_space<hbm>>) target(%arg7 : memref<10240xi32, #tpu.memory_space<vmem>>) target_semaphore(%run_scoped3A : memref<!tpu.dma_semaphore, #tpu.memory_space<semaphore_mem>>)
      %dma_wait3A = tpu.memref_slice %arg3[%mul3A_6] : memref<327680xi32, #tpu.memory_space<hbm>> -> memref<10240xi32, #tpu.memory_space<hbm>>
      %dma_wait3A_49 = tpu.memref_slice %arg3[%mul3A_6] : memref<327680xi32, #tpu.memory_space<hbm>> -> memref<10240xi32, #tpu.memory_space<hbm>>
      tpu.wait_dma2 semaphore(%run_scoped3A : memref<!tpu.dma_semaphore, #tpu.memory_space<semaphore_mem>>) src(%dma_wait3A_49 : memref<10240xi32, #tpu.memory_space<hbm>>) dst(%arg7 : memref<10240xi32, #tpu.memory_space<vmem>>)
      tpu.yield
    }) : () -> ()
    "tpu.region"() ({
      %run_scoped3A = tpu.sem_alloc : memref<!tpu.dma_semaphore, #tpu.memory_space<semaphore_mem>>
      %dma_start3A_47 = arith.constant 0 : i32
      %dma_start3A_48 = tpu.memref_slice %arg16[%mul3A_2, %dma_start3A_47] : memref<10240x128xf32, #tpu.memory_space<vmem_shared>> -> memref<640x128xf32, #tpu.memory_space<vmem_shared>>
      tpu.enqueue_dma source(%arg5 : memref<640x128xf32, #tpu.memory_space<hbm>>) target(%dma_start3A_48 : memref<640x128xf32, #tpu.memory_space<vmem_shared>>) target_semaphore(%run_scoped3A : memref<!tpu.dma_semaphore, #tpu.memory_space<semaphore_mem>>)
      %dma_wait3A = arith.constant 0 : i32
      %dma_wait3A_49 = tpu.memref_slice %arg16[%mul3A_2, %dma_wait3A] : memref<10240x128xf32, #tpu.memory_space<vmem_shared>> -> memref<640x128xf32, #tpu.memory_space<vmem_shared>>
      tpu.wait_dma2 semaphore(%run_scoped3A : memref<!tpu.dma_semaphore, #tpu.memory_space<semaphore_mem>>) src(%arg5 : memref<640x128xf32, #tpu.memory_space<hbm>>) dst(%dma_wait3A_49 : memref<640x128xf32, #tpu.memory_space<vmem_shared>>)
      tpu.yield
    }) : () -> ()
    %add3A_7 = arith.constant 0 : i32
    %add3A_8 = arith.addi %mul3A_6, %add3A_7 : i32
    %dma_start3A = tpu.memref_slice %arg4[%add3A_8] : memref<327680xi32, #tpu.memory_space<hbm>> -> memref<64xi32, #tpu.memory_space<hbm>>
    %dma_start3A_9 = tpu.memref_slice %arg4[%add3A_8] : memref<327680xi32, #tpu.memory_space<hbm>> -> memref<64xi32, #tpu.memory_space<hbm>>
    tpu.enqueue_dma source(%dma_start3A_9 : memref<64xi32, #tpu.memory_space<hbm>>) target(%arg8 : memref<64xi32, #tpu.memory_space<vmem>>) target_semaphore(%arg21 : memref<!tpu.dma_semaphore, #tpu.memory_space<semaphore_mem>>)
    %dma_start3A_10 = arith.constant 0 : i32
    %dma_start3A_11 = tpu.memref_slice %arg7[%dma_start3A_10] : memref<10240xi32, #tpu.memory_space<vmem>> -> memref<64xi32, #tpu.memory_space<vmem>>
    %dma_start3A_12 = arith.constant 0 : i32
    %dma_start3A_13 = arith.constant 0 : i32
    %dma_start3A_14 = tpu.memref_slice %arg2[%dma_start3A_12, %dma_start3A_13] : memref<10000x128xf32, #tpu.memory_space<hbm>> -> memref<10000x128xf32, #tpu.memory_space<hbm>>
    tpu.enqueue_indirect_dma source(%dma_start3A_14 : memref<10000x128xf32, #tpu.memory_space<hbm>>) target(%arg12 : memref<64x128xf32, #tpu.memory_space<vmem>>) offsets(%dma_start3A_11 : memref<64xi32, #tpu.memory_space<vmem>>) semaphore(%arg17 : memref<!tpu.dma_semaphore, #tpu.memory_space<semaphore_mem>>)
    %add3A_15 = arith.constant 64 : i32
    %add3A_16 = arith.addi %mul3A_6, %add3A_15 : i32
    %dma_start3A_17 = tpu.memref_slice %arg4[%add3A_16] : memref<327680xi32, #tpu.memory_space<hbm>> -> memref<64xi32, #tpu.memory_space<hbm>>
    %dma_start3A_18 = tpu.memref_slice %arg4[%add3A_16] : memref<327680xi32, #tpu.memory_space<hbm>> -> memref<64xi32, #tpu.memory_space<hbm>>
    tpu.enqueue_dma source(%dma_start3A_18 : memref<64xi32, #tpu.memory_space<hbm>>) target(%arg9 : memref<64xi32, #tpu.memory_space<vmem>>) target_semaphore(%arg22 : memref<!tpu.dma_semaphore, #tpu.memory_space<semaphore_mem>>)
    %dma_start3A_19 = arith.constant 64 : i32
    %dma_start3A_20 = tpu.memref_slice %arg7[%dma_start3A_19] : memref<10240xi32, #tpu.memory_space<vmem>> -> memref<64xi32, #tpu.memory_space<vmem>>
    %dma_start3A_21 = arith.constant 0 : i32
    %dma_start3A_22 = arith.constant 0 : i32
    %dma_start3A_23 = tpu.memref_slice %arg2[%dma_start3A_21, %dma_start3A_22] : memref<10000x128xf32, #tpu.memory_space<hbm>> -> memref<10000x128xf32, #tpu.memory_space<hbm>>
    tpu.enqueue_indirect_dma source(%dma_start3A_23 : memref<10000x128xf32, #tpu.memory_space<hbm>>) target(%arg13 : memref<64x128xf32, #tpu.memory_space<vmem>>) offsets(%dma_start3A_20 : memref<64xi32, #tpu.memory_space<vmem>>) semaphore(%arg18 : memref<!tpu.dma_semaphore, #tpu.memory_space<semaphore_mem>>)
    %add3A_24 = arith.constant 128 : i32
    %add3A_25 = arith.addi %mul3A_6, %add3A_24 : i32
    %dma_start3A_26 = tpu.memref_slice %arg4[%add3A_25] : memref<327680xi32, #tpu.memory_space<hbm>> -> memref<64xi32, #tpu.memory_space<hbm>>
    %dma_start3A_27 = tpu.memref_slice %arg4[%add3A_25] : memref<327680xi32, #tpu.memory_space<hbm>> -> memref<64xi32, #tpu.memory_space<hbm>>
    tpu.enqueue_dma source(%dma_start3A_27 : memref<64xi32, #tpu.memory_space<hbm>>) target(%arg10 : memref<64xi32, #tpu.memory_space<vmem>>) target_semaphore(%arg23 : memref<!tpu.dma_semaphore, #tpu.memory_space<semaphore_mem>>)
    %dma_start3A_28 = arith.constant 128 : i32
    %dma_start3A_29 = tpu.memref_slice %arg7[%dma_start3A_28] : memref<10240xi32, #tpu.memory_space<vmem>> -> memref<64xi32, #tpu.memory_space<vmem>>
    %dma_start3A_30 = arith.constant 0 : i32
    %dma_start3A_31 = arith.constant 0 : i32
    %dma_start3A_32 = tpu.memref_slice %arg2[%dma_start3A_30, %dma_start3A_31] : memref<10000x128xf32, #tpu.memory_space<hbm>> -> memref<10000x128xf32, #tpu.memory_space<hbm>>
    tpu.enqueue_indirect_dma source(%dma_start3A_32 : memref<10000x128xf32, #tpu.memory_space<hbm>>) target(%arg14 : memref<64x128xf32, #tpu.memory_space<vmem>>) offsets(%dma_start3A_29 : memref<64xi32, #tpu.memory_space<vmem>>) semaphore(%arg19 : memref<!tpu.dma_semaphore, #tpu.memory_space<semaphore_mem>>)
    %add3A_33 = arith.constant 192 : i32
    %add3A_34 = arith.addi %mul3A_6, %add3A_33 : i32
    %dma_start3A_35 = tpu.memref_slice %arg4[%add3A_34] : memref<327680xi32, #tpu.memory_space<hbm>> -> memref<64xi32, #tpu.memory_space<hbm>>
    %dma_start3A_36 = tpu.memref_slice %arg4[%add3A_34] : memref<327680xi32, #tpu.memory_space<hbm>> -> memref<64xi32, #tpu.memory_space<hbm>>
    tpu.enqueue_dma source(%dma_start3A_36 : memref<64xi32, #tpu.memory_space<hbm>>) target(%arg11 : memref<64xi32, #tpu.memory_space<vmem>>) target_semaphore(%arg24 : memref<!tpu.dma_semaphore, #tpu.memory_space<semaphore_mem>>)
    %dma_start3A_37 = arith.constant 192 : i32
    %dma_start3A_38 = tpu.memref_slice %arg7[%dma_start3A_37] : memref<10240xi32, #tpu.memory_space<vmem>> -> memref<64xi32, #tpu.memory_space<vmem>>
    %dma_start3A_39 = arith.constant 0 : i32
    %dma_start3A_40 = arith.constant 0 : i32
    %dma_start3A_41 = tpu.memref_slice %arg2[%dma_start3A_39, %dma_start3A_40] : memref<10000x128xf32, #tpu.memory_space<hbm>> -> memref<10000x128xf32, #tpu.memory_space<hbm>>
    tpu.enqueue_indirect_dma source(%dma_start3A_41 : memref<10000x128xf32, #tpu.memory_space<hbm>>) target(%arg15 : memref<64x128xf32, #tpu.memory_space<vmem>>) offsets(%dma_start3A_38 : memref<64xi32, #tpu.memory_space<vmem>>) semaphore(%arg20 : memref<!tpu.dma_semaphore, #tpu.memory_space<semaphore_mem>>)
    %barrier3A = arith.constant 0 : index
    tpu.barrier barrier_id(%barrier3A)
    %scan3A = arith.constant 0 : i32
    %scan3A_42 = arith.constant 40 : i32
    %scan3A_43 = arith.addi %scan3A, %scan3A_42 : i32
    %scan3A_44 = arith.constant 1 : i32
    scf.for %scan3A_47 = %scan3A to %scan3A_43 step %scan3A_44  : i32 {
      %mul3A_48 = arith.constant 1 : i32
      %mul3A_49 = arith.muli %scan3A_47, %mul3A_48 : i32
      %add3A_50 = arith.constant 0 : i32
      %add3A_51 = arith.addi %add3A_50, %mul3A_49 : i32
      %mul3A_52 = arith.constant 4 : i32
      %mul3A_53 = arith.muli %add3A_51, %mul3A_52 : i32
      %add3A_54 = arith.constant 0 : i32
      %add3A_55 = arith.addi %mul3A_53, %add3A_54 : i32
      %dma_wait3A = arith.constant 0 : i32
      %dma_wait3A_56 = tpu.memref_slice %arg4[%dma_wait3A] : memref<327680xi32, #tpu.memory_space<hbm>> -> memref<64xi32, #tpu.memory_space<hbm>>
      %dma_wait3A_57 = arith.constant 0 : i32
      %dma_wait3A_58 = tpu.memref_slice %arg4[%dma_wait3A_57] : memref<327680xi32, #tpu.memory_space<hbm>> -> memref<64xi32, #tpu.memory_space<hbm>>
      tpu.wait_dma2 semaphore(%arg21 : memref<!tpu.dma_semaphore, #tpu.memory_space<semaphore_mem>>) src(%dma_wait3A_58 : memref<64xi32, #tpu.memory_space<hbm>>) dst(%arg8 : memref<64xi32, #tpu.memory_space<vmem>>)
      %dma_wait3A_59 = arith.constant 0 : i32
      %dma_wait3A_60 = arith.constant 0 : i32
      %dma_wait3A_61 = tpu.memref_slice %arg2[%dma_wait3A_59, %dma_wait3A_60] : memref<10000x128xf32, #tpu.memory_space<hbm>> -> memref<64x128xf32, #tpu.memory_space<hbm>>
      %dma_wait3A_62 = arith.constant 0 : i32
      %dma_wait3A_63 = arith.constant 0 : i32
      %dma_wait3A_64 = tpu.memref_slice %arg2[%dma_wait3A_62, %dma_wait3A_63] : memref<10000x128xf32, #tpu.memory_space<hbm>> -> memref<64x128xf32, #tpu.memory_space<hbm>>
      tpu.wait_dma2 semaphore(%arg17 : memref<!tpu.dma_semaphore, #tpu.memory_space<semaphore_mem>>) src(%dma_wait3A_64 : memref<64x128xf32, #tpu.memory_space<hbm>>) dst(%arg12 : memref<64x128xf32, #tpu.memory_space<vmem>>)
      "tpu.region"() ({
        %run_scoped3A = tpu.sem_alloc : memref<!tpu.dma_semaphore, #tpu.memory_space<semaphore_mem>>
        %dma_start3A_126 = arith.constant 0 : i32
        %dma_start3A_127 = arith.constant 0 : i32
        %dma_start3A_128 = tpu.memref_slice %arg16[%dma_start3A_126, %dma_start3A_127] : memref<10240x128xf32, #tpu.memory_space<vmem_shared>> -> memref<10240x128xf32, #tpu.memory_space<vmem_shared>>
        tpu.enqueue_indirect_dma source(%arg12 : memref<64x128xf32, #tpu.memory_space<vmem>>) target(%dma_start3A_128 : memref<10240x128xf32, #tpu.memory_space<vmem_shared>>) offsets(%arg8 : memref<64xi32, #tpu.memory_space<vmem>>) semaphore(%run_scoped3A : memref<!tpu.dma_semaphore, #tpu.memory_space<semaphore_mem>>) {add = true}
        %dma_wait3A_129 = arith.constant 0 : i32
        %dma_wait3A_130 = arith.constant 0 : i32
        %dma_wait3A_131 = tpu.memref_slice %arg16[%dma_wait3A_129, %dma_wait3A_130] : memref<10240x128xf32, #tpu.memory_space<vmem_shared>> -> memref<10240x128xf32, #tpu.memory_space<vmem_shared>>
        tpu.wait_indirect_dma semaphore(%run_scoped3A : memref<!tpu.dma_semaphore, #tpu.memory_space<semaphore_mem>>) src(%arg12 : memref<64x128xf32, #tpu.memory_space<vmem>>) dst(%dma_wait3A_131 : memref<10240x128xf32, #tpu.memory_space<vmem_shared>>)
        tpu.yield
      }) : () -> ()
      %add3A_65 = arith.constant 4 : i32
      %add3A_66 = arith.addi %add3A_55, %add3A_65 : i32
      %lt3A = arith.constant 160 : i32
      %lt3A_67 = arith.cmpi slt, %add3A_66, %lt3A : i32
      %convert_element_type3A = arith.extui %lt3A_67 : i1 to i32
      %cond3A = arith.constant 0 : i32
      %cond3A_68 = arith.cmpi ne, %convert_element_type3A, %cond3A : i32
      scf.if %cond3A_68 {
        %add3A_126 = arith.constant 4 : i32
        %add3A_127 = arith.addi %add3A_55, %add3A_126 : i32
        %mul3A_128 = arith.constant 64 : i32
        %mul3A_129 = arith.muli %add3A_127, %mul3A_128 : i32
        %add3A_130 = arith.addi %mul3A_6, %mul3A_129 : i32
        %dma_start3A_131 = tpu.memref_slice %arg4[%add3A_130] : memref<327680xi32, #tpu.memory_space<hbm>> -> memref<64xi32, #tpu.memory_space<hbm>>
        %dma_start3A_132 = tpu.memref_slice %arg4[%add3A_130] : memref<327680xi32, #tpu.memory_space<hbm>> -> memref<64xi32, #tpu.memory_space<hbm>>
        tpu.enqueue_dma source(%dma_start3A_132 : memref<64xi32, #tpu.memory_space<hbm>>) target(%arg8 : memref<64xi32, #tpu.memory_space<vmem>>) target_semaphore(%arg21 : memref<!tpu.dma_semaphore, #tpu.memory_space<semaphore_mem>>)
        %mul3A_133 = arith.constant 64 : i32
        %mul3A_134 = arith.muli %add3A_127, %mul3A_133 : i32
        %dma_start3A_135 = tpu.memref_slice %arg7[%mul3A_134] : memref<10240xi32, #tpu.memory_space<vmem>> -> memref<64xi32, #tpu.memory_space<vmem>>
        %dma_start3A_136 = arith.constant 0 : i32
        %dma_start3A_137 = arith.constant 0 : i32
        %dma_start3A_138 = tpu.memref_slice %arg2[%dma_start3A_136, %dma_start3A_137] : memref<10000x128xf32, #tpu.memory_space<hbm>> -> memref<10000x128xf32, #tpu.memory_space<hbm>>
        tpu.enqueue_indirect_dma source(%dma_start3A_138 : memref<10000x128xf32, #tpu.memory_space<hbm>>) target(%arg12 : memref<64x128xf32, #tpu.memory_space<vmem>>) offsets(%dma_start3A_135 : memref<64xi32, #tpu.memory_space<vmem>>) semaphore(%arg17 : memref<!tpu.dma_semaphore, #tpu.memory_space<semaphore_mem>>)
      } else {
      }
      %add3A_69 = arith.constant 1 : i32
      %add3A_70 = arith.addi %mul3A_53, %add3A_69 : i32
      %dma_wait3A_71 = arith.constant 0 : i32
      %dma_wait3A_72 = tpu.memref_slice %arg4[%dma_wait3A_71] : memref<327680xi32, #tpu.memory_space<hbm>> -> memref<64xi32, #tpu.memory_space<hbm>>
      %dma_wait3A_73 = arith.constant 0 : i32
      %dma_wait3A_74 = tpu.memref_slice %arg4[%dma_wait3A_73] : memref<327680xi32, #tpu.memory_space<hbm>> -> memref<64xi32, #tpu.memory_space<hbm>>
      tpu.wait_dma2 semaphore(%arg22 : memref<!tpu.dma_semaphore, #tpu.memory_space<semaphore_mem>>) src(%dma_wait3A_74 : memref<64xi32, #tpu.memory_space<hbm>>) dst(%arg9 : memref<64xi32, #tpu.memory_space<vmem>>)
      %dma_wait3A_75 = arith.constant 0 : i32
      %dma_wait3A_76 = arith.constant 0 : i32
      %dma_wait3A_77 = tpu.memref_slice %arg2[%dma_wait3A_75, %dma_wait3A_76] : memref<10000x128xf32, #tpu.memory_space<hbm>> -> memref<64x128xf32, #tpu.memory_space<hbm>>
      %dma_wait3A_78 = arith.constant 0 : i32
      %dma_wait3A_79 = arith.constant 0 : i32
      %dma_wait3A_80 = tpu.memref_slice %arg2[%dma_wait3A_78, %dma_wait3A_79] : memref<10000x128xf32, #tpu.memory_space<hbm>> -> memref<64x128xf32, #tpu.memory_space<hbm>>
      tpu.wait_dma2 semaphore(%arg18 : memref<!tpu.dma_semaphore, #tpu.memory_space<semaphore_mem>>) src(%dma_wait3A_80 : memref<64x128xf32, #tpu.memory_space<hbm>>) dst(%arg13 : memref<64x128xf32, #tpu.memory_space<vmem>>)
      "tpu.region"() ({
        %run_scoped3A = tpu.sem_alloc : memref<!tpu.dma_semaphore, #tpu.memory_space<semaphore_mem>>
        %dma_start3A_126 = arith.constant 0 : i32
        %dma_start3A_127 = arith.constant 0 : i32
        %dma_start3A_128 = tpu.memref_slice %arg16[%dma_start3A_126, %dma_start3A_127] : memref<10240x128xf32, #tpu.memory_space<vmem_shared>> -> memref<10240x128xf32, #tpu.memory_space<vmem_shared>>
        tpu.enqueue_indirect_dma source(%arg13 : memref<64x128xf32, #tpu.memory_space<vmem>>) target(%dma_start3A_128 : memref<10240x128xf32, #tpu.memory_space<vmem_shared>>) offsets(%arg9 : memref<64xi32, #tpu.memory_space<vmem>>) semaphore(%run_scoped3A : memref<!tpu.dma_semaphore, #tpu.memory_space<semaphore_mem>>) {add = true}
        %dma_wait3A_129 = arith.constant 0 : i32
        %dma_wait3A_130 = arith.constant 0 : i32
        %dma_wait3A_131 = tpu.memref_slice %arg16[%dma_wait3A_129, %dma_wait3A_130] : memref<10240x128xf32, #tpu.memory_space<vmem_shared>> -> memref<10240x128xf32, #tpu.memory_space<vmem_shared>>
        tpu.wait_indirect_dma semaphore(%run_scoped3A : memref<!tpu.dma_semaphore, #tpu.memory_space<semaphore_mem>>) src(%arg13 : memref<64x128xf32, #tpu.memory_space<vmem>>) dst(%dma_wait3A_131 : memref<10240x128xf32, #tpu.memory_space<vmem_shared>>)
        tpu.yield
      }) : () -> ()
      %add3A_81 = arith.constant 4 : i32
      %add3A_82 = arith.addi %add3A_70, %add3A_81 : i32
      %lt3A_83 = arith.constant 160 : i32
      %lt3A_84 = arith.cmpi slt, %add3A_82, %lt3A_83 : i32
      %convert_element_type3A_85 = arith.extui %lt3A_84 : i1 to i32
      %cond3A_86 = arith.constant 0 : i32
      %cond3A_87 = arith.cmpi ne, %convert_element_type3A_85, %cond3A_86 : i32
      scf.if %cond3A_87 {
        %add3A_126 = arith.constant 4 : i32
        %add3A_127 = arith.addi %add3A_70, %add3A_126 : i32
        %mul3A_128 = arith.constant 64 : i32
        %mul3A_129 = arith.muli %add3A_127, %mul3A_128 : i32
        %add3A_130 = arith.addi %mul3A_6, %mul3A_129 : i32
        %dma_start3A_131 = tpu.memref_slice %arg4[%add3A_130] : memref<327680xi32, #tpu.memory_space<hbm>> -> memref<64xi32, #tpu.memory_space<hbm>>
        %dma_start3A_132 = tpu.memref_slice %arg4[%add3A_130] : memref<327680xi32, #tpu.memory_space<hbm>> -> memref<64xi32, #tpu.memory_space<hbm>>
        tpu.enqueue_dma source(%dma_start3A_132 : memref<64xi32, #tpu.memory_space<hbm>>) target(%arg9 : memref<64xi32, #tpu.memory_space<vmem>>) target_semaphore(%arg22 : memref<!tpu.dma_semaphore, #tpu.memory_space<semaphore_mem>>)
        %mul3A_133 = arith.constant 64 : i32
        %mul3A_134 = arith.muli %add3A_127, %mul3A_133 : i32
        %dma_start3A_135 = tpu.memref_slice %arg7[%mul3A_134] : memref<10240xi32, #tpu.memory_space<vmem>> -> memref<64xi32, #tpu.memory_space<vmem>>
        %dma_start3A_136 = arith.constant 0 : i32
        %dma_start3A_137 = arith.constant 0 : i32
        %dma_start3A_138 = tpu.memref_slice %arg2[%dma_start3A_136, %dma_start3A_137] : memref<10000x128xf32, #tpu.memory_space<hbm>> -> memref<10000x128xf32, #tpu.memory_space<hbm>>
        tpu.enqueue_indirect_dma source(%dma_start3A_138 : memref<10000x128xf32, #tpu.memory_space<hbm>>) target(%arg13 : memref<64x128xf32, #tpu.memory_space<vmem>>) offsets(%dma_start3A_135 : memref<64xi32, #tpu.memory_space<vmem>>) semaphore(%arg18 : memref<!tpu.dma_semaphore, #tpu.memory_space<semaphore_mem>>)
      } else {
      }
      %add3A_88 = arith.constant 2 : i32
      %add3A_89 = arith.addi %mul3A_53, %add3A_88 : i32
      %dma_wait3A_90 = arith.constant 0 : i32
      %dma_wait3A_91 = tpu.memref_slice %arg4[%dma_wait3A_90] : memref<327680xi32, #tpu.memory_space<hbm>> -> memref<64xi32, #tpu.memory_space<hbm>>
      %dma_wait3A_92 = arith.constant 0 : i32
      %dma_wait3A_93 = tpu.memref_slice %arg4[%dma_wait3A_92] : memref<327680xi32, #tpu.memory_space<hbm>> -> memref<64xi32, #tpu.memory_space<hbm>>
      tpu.wait_dma2 semaphore(%arg23 : memref<!tpu.dma_semaphore, #tpu.memory_space<semaphore_mem>>) src(%dma_wait3A_93 : memref<64xi32, #tpu.memory_space<hbm>>) dst(%arg10 : memref<64xi32, #tpu.memory_space<vmem>>)
      %dma_wait3A_94 = arith.constant 0 : i32
      %dma_wait3A_95 = arith.constant 0 : i32
      %dma_wait3A_96 = tpu.memref_slice %arg2[%dma_wait3A_94, %dma_wait3A_95] : memref<10000x128xf32, #tpu.memory_space<hbm>> -> memref<64x128xf32, #tpu.memory_space<hbm>>
      %dma_wait3A_97 = arith.constant 0 : i32
      %dma_wait3A_98 = arith.constant 0 : i32
      %dma_wait3A_99 = tpu.memref_slice %arg2[%dma_wait3A_97, %dma_wait3A_98] : memref<10000x128xf32, #tpu.memory_space<hbm>> -> memref<64x128xf32, #tpu.memory_space<hbm>>
      tpu.wait_dma2 semaphore(%arg19 : memref<!tpu.dma_semaphore, #tpu.memory_space<semaphore_mem>>) src(%dma_wait3A_99 : memref<64x128xf32, #tpu.memory_space<hbm>>) dst(%arg14 : memref<64x128xf32, #tpu.memory_space<vmem>>)
      "tpu.region"() ({
        %run_scoped3A = tpu.sem_alloc : memref<!tpu.dma_semaphore, #tpu.memory_space<semaphore_mem>>
        %dma_start3A_126 = arith.constant 0 : i32
        %dma_start3A_127 = arith.constant 0 : i32
        %dma_start3A_128 = tpu.memref_slice %arg16[%dma_start3A_126, %dma_start3A_127] : memref<10240x128xf32, #tpu.memory_space<vmem_shared>> -> memref<10240x128xf32, #tpu.memory_space<vmem_shared>>
        tpu.enqueue_indirect_dma source(%arg14 : memref<64x128xf32, #tpu.memory_space<vmem>>) target(%dma_start3A_128 : memref<10240x128xf32, #tpu.memory_space<vmem_shared>>) offsets(%arg10 : memref<64xi32, #tpu.memory_space<vmem>>) semaphore(%run_scoped3A : memref<!tpu.dma_semaphore, #tpu.memory_space<semaphore_mem>>) {add = true}
        %dma_wait3A_129 = arith.constant 0 : i32
        %dma_wait3A_130 = arith.constant 0 : i32
        %dma_wait3A_131 = tpu.memref_slice %arg16[%dma_wait3A_129, %dma_wait3A_130] : memref<10240x128xf32, #tpu.memory_space<vmem_shared>> -> memref<10240x128xf32, #tpu.memory_space<vmem_shared>>
        tpu.wait_indirect_dma semaphore(%run_scoped3A : memref<!tpu.dma_semaphore, #tpu.memory_space<semaphore_mem>>) src(%arg14 : memref<64x128xf32, #tpu.memory_space<vmem>>) dst(%dma_wait3A_131 : memref<10240x128xf32, #tpu.memory_space<vmem_shared>>)
        tpu.yield
      }) : () -> ()
      %add3A_100 = arith.constant 4 : i32
      %add3A_101 = arith.addi %add3A_89, %add3A_100 : i32
      %lt3A_102 = arith.constant 160 : i32
      %lt3A_103 = arith.cmpi slt, %add3A_101, %lt3A_102 : i32
      %convert_element_type3A_104 = arith.extui %lt3A_103 : i1 to i32
      %cond3A_105 = arith.constant 0 : i32
      %cond3A_106 = arith.cmpi ne, %convert_element_type3A_104, %cond3A_105 : i32
      scf.if %cond3A_106 {
        %add3A_126 = arith.constant 4 : i32
        %add3A_127 = arith.addi %add3A_89, %add3A_126 : i32
        %mul3A_128 = arith.constant 64 : i32
        %mul3A_129 = arith.muli %add3A_127, %mul3A_128 : i32
        %add3A_130 = arith.addi %mul3A_6, %mul3A_129 : i32
        %dma_start3A_131 = tpu.memref_slice %arg4[%add3A_130] : memref<327680xi32, #tpu.memory_space<hbm>> -> memref<64xi32, #tpu.memory_space<hbm>>
        %dma_start3A_132 = tpu.memref_slice %arg4[%add3A_130] : memref<327680xi32, #tpu.memory_space<hbm>> -> memref<64xi32, #tpu.memory_space<hbm>>
        tpu.enqueue_dma source(%dma_start3A_132 : memref<64xi32, #tpu.memory_space<hbm>>) target(%arg10 : memref<64xi32, #tpu.memory_space<vmem>>) target_semaphore(%arg23 : memref<!tpu.dma_semaphore, #tpu.memory_space<semaphore_mem>>)
        %mul3A_133 = arith.constant 64 : i32
        %mul3A_134 = arith.muli %add3A_127, %mul3A_133 : i32
        %dma_start3A_135 = tpu.memref_slice %arg7[%mul3A_134] : memref<10240xi32, #tpu.memory_space<vmem>> -> memref<64xi32, #tpu.memory_space<vmem>>
        %dma_start3A_136 = arith.constant 0 : i32
        %dma_start3A_137 = arith.constant 0 : i32
        %dma_start3A_138 = tpu.memref_slice %arg2[%dma_start3A_136, %dma_start3A_137] : memref<10000x128xf32, #tpu.memory_space<hbm>> -> memref<10000x128xf32, #tpu.memory_space<hbm>>
        tpu.enqueue_indirect_dma source(%dma_start3A_138 : memref<10000x128xf32, #tpu.memory_space<hbm>>) target(%arg14 : memref<64x128xf32, #tpu.memory_space<vmem>>) offsets(%dma_start3A_135 : memref<64xi32, #tpu.memory_space<vmem>>) semaphore(%arg19 : memref<!tpu.dma_semaphore, #tpu.memory_space<semaphore_mem>>)
      } else {
      }
      %add3A_107 = arith.constant 3 : i32
      %add3A_108 = arith.addi %mul3A_53, %add3A_107 : i32
      %dma_wait3A_109 = arith.constant 0 : i32
      %dma_wait3A_110 = tpu.memref_slice %arg4[%dma_wait3A_109] : memref<327680xi32, #tpu.memory_space<hbm>> -> memref<64xi32, #tpu.memory_space<hbm>>
      %dma_wait3A_111 = arith.constant 0 : i32
      %dma_wait3A_112 = tpu.memref_slice %arg4[%dma_wait3A_111] : memref<327680xi32, #tpu.memory_space<hbm>> -> memref<64xi32, #tpu.memory_space<hbm>>
      tpu.wait_dma2 semaphore(%arg24 : memref<!tpu.dma_semaphore, #tpu.memory_space<semaphore_mem>>) src(%dma_wait3A_112 : memref<64xi32, #tpu.memory_space<hbm>>) dst(%arg11 : memref<64xi32, #tpu.memory_space<vmem>>)
      %dma_wait3A_113 = arith.constant 0 : i32
      %dma_wait3A_114 = arith.constant 0 : i32
      %dma_wait3A_115 = tpu.memref_slice %arg2[%dma_wait3A_113, %dma_wait3A_114] : memref<10000x128xf32, #tpu.memory_space<hbm>> -> memref<64x128xf32, #tpu.memory_space<hbm>>
      %dma_wait3A_116 = arith.constant 0 : i32
      %dma_wait3A_117 = arith.constant 0 : i32
      %dma_wait3A_118 = tpu.memref_slice %arg2[%dma_wait3A_116, %dma_wait3A_117] : memref<10000x128xf32, #tpu.memory_space<hbm>> -> memref<64x128xf32, #tpu.memory_space<hbm>>
      tpu.wait_dma2 semaphore(%arg20 : memref<!tpu.dma_semaphore, #tpu.memory_space<semaphore_mem>>) src(%dma_wait3A_118 : memref<64x128xf32, #tpu.memory_space<hbm>>) dst(%arg15 : memref<64x128xf32, #tpu.memory_space<vmem>>)
      "tpu.region"() ({
        %run_scoped3A = tpu.sem_alloc : memref<!tpu.dma_semaphore, #tpu.memory_space<semaphore_mem>>
        %dma_start3A_126 = arith.constant 0 : i32
        %dma_start3A_127 = arith.constant 0 : i32
        %dma_start3A_128 = tpu.memref_slice %arg16[%dma_start3A_126, %dma_start3A_127] : memref<10240x128xf32, #tpu.memory_space<vmem_shared>> -> memref<10240x128xf32, #tpu.memory_space<vmem_shared>>
        tpu.enqueue_indirect_dma source(%arg15 : memref<64x128xf32, #tpu.memory_space<vmem>>) target(%dma_start3A_128 : memref<10240x128xf32, #tpu.memory_space<vmem_shared>>) offsets(%arg11 : memref<64xi32, #tpu.memory_space<vmem>>) semaphore(%run_scoped3A : memref<!tpu.dma_semaphore, #tpu.memory_space<semaphore_mem>>) {add = true}
        %dma_wait3A_129 = arith.constant 0 : i32
        %dma_wait3A_130 = arith.constant 0 : i32
        %dma_wait3A_131 = tpu.memref_slice %arg16[%dma_wait3A_129, %dma_wait3A_130] : memref<10240x128xf32, #tpu.memory_space<vmem_shared>> -> memref<10240x128xf32, #tpu.memory_space<vmem_shared>>
        tpu.wait_indirect_dma semaphore(%run_scoped3A : memref<!tpu.dma_semaphore, #tpu.memory_space<semaphore_mem>>) src(%arg15 : memref<64x128xf32, #tpu.memory_space<vmem>>) dst(%dma_wait3A_131 : memref<10240x128xf32, #tpu.memory_space<vmem_shared>>)
        tpu.yield
      }) : () -> ()
      %add3A_119 = arith.constant 4 : i32
      %add3A_120 = arith.addi %add3A_108, %add3A_119 : i32
      %lt3A_121 = arith.constant 160 : i32
      %lt3A_122 = arith.cmpi slt, %add3A_120, %lt3A_121 : i32
      %convert_element_type3A_123 = arith.extui %lt3A_122 : i1 to i32
      %cond3A_124 = arith.constant 0 : i32
      %cond3A_125 = arith.cmpi ne, %convert_element_type3A_123, %cond3A_124 : i32
      scf.if %cond3A_125 {
        %add3A_126 = arith.constant 4 : i32
        %add3A_127 = arith.addi %add3A_108, %add3A_126 : i32
        %mul3A_128 = arith.constant 64 : i32
        %mul3A_129 = arith.muli %add3A_127, %mul3A_128 : i32
        %add3A_130 = arith.addi %mul3A_6, %mul3A_129 : i32
        %dma_start3A_131 = tpu.memref_slice %arg4[%add3A_130] : memref<327680xi32, #tpu.memory_space<hbm>> -> memref<64xi32, #tpu.memory_space<hbm>>
        %dma_start3A_132 = tpu.memref_slice %arg4[%add3A_130] : memref<327680xi32, #tpu.memory_space<hbm>> -> memref<64xi32, #tpu.memory_space<hbm>>
        tpu.enqueue_dma source(%dma_start3A_132 : memref<64xi32, #tpu.memory_space<hbm>>) target(%arg11 : memref<64xi32, #tpu.memory_space<vmem>>) target_semaphore(%arg24 : memref<!tpu.dma_semaphore, #tpu.memory_space<semaphore_mem>>)
        %mul3A_133 = arith.constant 64 : i32
        %mul3A_134 = arith.muli %add3A_127, %mul3A_133 : i32
        %dma_start3A_135 = tpu.memref_slice %arg7[%mul3A_134] : memref<10240xi32, #tpu.memory_space<vmem>> -> memref<64xi32, #tpu.memory_space<vmem>>
        %dma_start3A_136 = arith.constant 0 : i32
        %dma_start3A_137 = arith.constant 0 : i32
        %dma_start3A_138 = tpu.memref_slice %arg2[%dma_start3A_136, %dma_start3A_137] : memref<10000x128xf32, #tpu.memory_space<hbm>> -> memref<10000x128xf32, #tpu.memory_space<hbm>>
        tpu.enqueue_indirect_dma source(%dma_start3A_138 : memref<10000x128xf32, #tpu.memory_space<hbm>>) target(%arg15 : memref<64x128xf32, #tpu.memory_space<vmem>>) offsets(%dma_start3A_135 : memref<64xi32, #tpu.memory_space<vmem>>) semaphore(%arg20 : memref<!tpu.dma_semaphore, #tpu.memory_space<semaphore_mem>>)
      } else {
      }
    }
    %scan3A_45 = arith.constant 40 : i32
    %barrier3A_46 = arith.constant 0 : index
    tpu.barrier barrier_id(%barrier3A_46)
    "tpu.region"() ({
      %run_scoped3A = tpu.sem_alloc : memref<!tpu.dma_semaphore, #tpu.memory_space<semaphore_mem>>
      %dma_start3A_47 = arith.constant 0 : i32
      %dma_start3A_48 = tpu.memref_slice %arg6[%arg0, %mul3A_2, %dma_start3A_47] : memref<2x10240x128xf32, #tpu.memory_space<hbm>> -> memref<1x640x128xf32, #tpu.memory_space<hbm>>
      %dma_start3A_49 = tpu.memref_squeeze %dma_start3A_48 : memref<1x640x128xf32, #tpu.memory_space<hbm>> -> memref<640x128xf32, #tpu.memory_space<hbm>>
      %dma_start3A_50 = arith.constant 0 : i32
      %dma_start3A_51 = tpu.memref_slice %arg16[%mul3A_2, %dma_start3A_50] : memref<10240x128xf32, #tpu.memory_space<vmem_shared>> -> memref<640x128xf32, #tpu.memory_space<vmem_shared>>
      tpu.enqueue_dma source(%dma_start3A_51 : memref<640x128xf32, #tpu.memory_space<vmem_shared>>) target(%dma_start3A_49 : memref<640x128xf32, #tpu.memory_space<hbm>>) target_semaphore(%run_scoped3A : memref<!tpu.dma_semaphore, #tpu.memory_space<semaphore_mem>>)
      %dma_wait3A = arith.constant 0 : i32
      %dma_wait3A_52 = tpu.memref_slice %arg6[%arg0, %mul3A_2, %dma_wait3A] : memref<2x10240x128xf32, #tpu.memory_space<hbm>> -> memref<1x640x128xf32, #tpu.memory_space<hbm>>
      %dma_wait3A_53 = tpu.memref_squeeze %dma_wait3A_52 : memref<1x640x128xf32, #tpu.memory_space<hbm>> -> memref<640x128xf32, #tpu.memory_space<hbm>>
      %dma_wait3A_54 = arith.constant 0 : i32
      %dma_wait3A_55 = tpu.memref_slice %arg16[%mul3A_2, %dma_wait3A_54] : memref<10240x128xf32, #tpu.memory_space<vmem_shared>> -> memref<640x128xf32, #tpu.memory_space<vmem_shared>>
      tpu.wait_dma2 semaphore(%run_scoped3A : memref<!tpu.dma_semaphore, #tpu.memory_space<semaphore_mem>>) src(%dma_wait3A_55 : memref<640x128xf32, #tpu.memory_space<vmem_shared>>) dst(%dma_wait3A_53 : memref<640x128xf32, #tpu.memory_space<hbm>>)
      tpu.yield
    }) : () -> ()
    return
  }
}

#map = affine_map<(d0, d1) -> (0)>
#map1 = affine_map<(d0, d1) -> (0, 0)>
#map2 = affine_map<(d0, d1) -> (0, 0, 0)>
module attributes {stable_mosaic.version = 14 : i64} {
  func.func @sc_kernel(%arg0: i32, %arg1: i32, %arg2: memref<327680xi32, #tpu.memory_space<hbm>>, %arg3: memref<64x128xf32, #tpu.memory_space<hbm>>, %arg4: memref<640x128xf32, #tpu.memory_space<hbm>>, %arg5: memref<2x10240x128xf32, #tpu.memory_space<hbm>>, %arg6: memref<64xi32, #tpu.memory_space<vmem>>, %arg7: memref<64xi32, #tpu.memory_space<vmem>>, %arg8: memref<64x128xf32, #tpu.memory_space<vmem>>, %arg9: memref<10240x128xf32, #tpu.memory_space<vmem_shared>>, %arg10: memref<!tpu.dma_semaphore, #tpu.memory_space<semaphore_mem>>, %arg11: memref<!tpu.dma_semaphore, #tpu.memory_space<semaphore_mem>>) attributes {dimension_semantics = [#tpu.dimension_semantics<core_parallel>, #tpu.dimension_semantics<subcore_parallel>], iteration_bounds = array<i64: 2, 16>, scalar_prefetch = 0 : i64, scratch_operands = 6 : i64, tpu.core_type = #tpu.core_type<sc_vector_subcore>, window_params = [{transform_indices = #map}, {transform_indices = #map1}, {transform_indices = #map1}, {transform_indices = #map2}]} {
    %mul3A = arith.constant 2 : i32
    %mul3A_0 = arith.muli %arg1, %mul3A : i32
    %add3A = arith.addi %mul3A_0, %arg0 : i32
    %mul3A_1 = arith.constant 640 : i32
    %mul3A_2 = arith.muli %arg1, %mul3A_1 : i32
    %mul3A_3 = arith.constant 80 : i32
    %mul3A_4 = arith.muli %add3A, %mul3A_3 : i32
    %mul3A_5 = arith.constant 128 : i32
    %mul3A_6 = arith.muli %mul3A_4, %mul3A_5 : i32
    "tpu.region"() ({
      %run_scoped3A = tpu.sem_alloc : memref<!tpu.dma_semaphore, #tpu.memory_space<semaphore_mem>>
      tpu.enqueue_dma source(%arg3 : memref<64x128xf32, #tpu.memory_space<hbm>>) target(%arg8 : memref<64x128xf32, #tpu.memory_space<vmem>>) target_semaphore(%run_scoped3A : memref<!tpu.dma_semaphore, #tpu.memory_space<semaphore_mem>>)
      tpu.wait_dma2 semaphore(%run_scoped3A : memref<!tpu.dma_semaphore, #tpu.memory_space<semaphore_mem>>) src(%arg3 : memref<64x128xf32, #tpu.memory_space<hbm>>) dst(%arg8 : memref<64x128xf32, #tpu.memory_space<vmem>>)
      tpu.yield
    }) : () -> ()
    "tpu.region"() ({
      %run_scoped3A = tpu.sem_alloc : memref<!tpu.dma_semaphore, #tpu.memory_space<semaphore_mem>>
      %dma_start3A_19 = arith.constant 0 : i32
      %dma_start3A_20 = tpu.memref_slice %arg9[%mul3A_2, %dma_start3A_19] : memref<10240x128xf32, #tpu.memory_space<vmem_shared>> -> memref<640x128xf32, #tpu.memory_space<vmem_shared>>
      tpu.enqueue_dma source(%arg4 : memref<640x128xf32, #tpu.memory_space<hbm>>) target(%dma_start3A_20 : memref<640x128xf32, #tpu.memory_space<vmem_shared>>) target_semaphore(%run_scoped3A : memref<!tpu.dma_semaphore, #tpu.memory_space<semaphore_mem>>)
      %dma_wait3A = arith.constant 0 : i32
      %dma_wait3A_21 = tpu.memref_slice %arg9[%mul3A_2, %dma_wait3A] : memref<10240x128xf32, #tpu.memory_space<vmem_shared>> -> memref<640x128xf32, #tpu.memory_space<vmem_shared>>
      tpu.wait_dma2 semaphore(%run_scoped3A : memref<!tpu.dma_semaphore, #tpu.memory_space<semaphore_mem>>) src(%arg4 : memref<640x128xf32, #tpu.memory_space<hbm>>) dst(%dma_wait3A_21 : memref<640x128xf32, #tpu.memory_space<vmem_shared>>)
      tpu.yield
    }) : () -> ()
    %add3A_7 = arith.constant 0 : i32
    %add3A_8 = arith.addi %mul3A_6, %add3A_7 : i32
    %dma_start3A = tpu.memref_slice %arg2[%add3A_8] : memref<327680xi32, #tpu.memory_space<hbm>> -> memref<64xi32, #tpu.memory_space<hbm>>
    %dma_start3A_9 = tpu.memref_slice %arg2[%add3A_8] : memref<327680xi32, #tpu.memory_space<hbm>> -> memref<64xi32, #tpu.memory_space<hbm>>
    tpu.enqueue_dma source(%dma_start3A_9 : memref<64xi32, #tpu.memory_space<hbm>>) target(%arg6 : memref<64xi32, #tpu.memory_space<vmem>>) target_semaphore(%arg10 : memref<!tpu.dma_semaphore, #tpu.memory_space<semaphore_mem>>)
    %add3A_10 = arith.constant 64 : i32
    %add3A_11 = arith.addi %mul3A_6, %add3A_10 : i32
    %dma_start3A_12 = tpu.memref_slice %arg2[%add3A_11] : memref<327680xi32, #tpu.memory_space<hbm>> -> memref<64xi32, #tpu.memory_space<hbm>>
    %dma_start3A_13 = tpu.memref_slice %arg2[%add3A_11] : memref<327680xi32, #tpu.memory_space<hbm>> -> memref<64xi32, #tpu.memory_space<hbm>>
    tpu.enqueue_dma source(%dma_start3A_13 : memref<64xi32, #tpu.memory_space<hbm>>) target(%arg7 : memref<64xi32, #tpu.memory_space<vmem>>) target_semaphore(%arg11 : memref<!tpu.dma_semaphore, #tpu.memory_space<semaphore_mem>>)
    %barrier3A = arith.constant 0 : index
    tpu.barrier barrier_id(%barrier3A)
    %scan3A = arith.constant 0 : i32
    %scan3A_14 = arith.constant 80 : i32
    %scan3A_15 = arith.addi %scan3A, %scan3A_14 : i32
    %scan3A_16 = arith.constant 1 : i32
    scf.for %scan3A_19 = %scan3A to %scan3A_15 step %scan3A_16  : i32 {
      %mul3A_20 = arith.constant 1 : i32
      %mul3A_21 = arith.muli %scan3A_19, %mul3A_20 : i32
      %add3A_22 = arith.constant 0 : i32
      %add3A_23 = arith.addi %add3A_22, %mul3A_21 : i32
      %mul3A_24 = arith.constant 2 : i32
      %mul3A_25 = arith.muli %add3A_23, %mul3A_24 : i32
      %add3A_26 = arith.constant 0 : i32
      %add3A_27 = arith.addi %mul3A_25, %add3A_26 : i32
      %dma_wait3A = arith.constant 0 : i32
      %dma_wait3A_28 = tpu.memref_slice %arg2[%dma_wait3A] : memref<327680xi32, #tpu.memory_space<hbm>> -> memref<64xi32, #tpu.memory_space<hbm>>
      %dma_wait3A_29 = arith.constant 0 : i32
      %dma_wait3A_30 = tpu.memref_slice %arg2[%dma_wait3A_29] : memref<327680xi32, #tpu.memory_space<hbm>> -> memref<64xi32, #tpu.memory_space<hbm>>
      tpu.wait_dma2 semaphore(%arg10 : memref<!tpu.dma_semaphore, #tpu.memory_space<semaphore_mem>>) src(%dma_wait3A_30 : memref<64xi32, #tpu.memory_space<hbm>>) dst(%arg6 : memref<64xi32, #tpu.memory_space<vmem>>)
      "tpu.region"() ({
        %run_scoped3A = tpu.sem_alloc : memref<!tpu.dma_semaphore, #tpu.memory_space<semaphore_mem>>
        %dma_start3A_48 = arith.constant 0 : i32
        %dma_start3A_49 = arith.constant 0 : i32
        %dma_start3A_50 = tpu.memref_slice %arg9[%dma_start3A_48, %dma_start3A_49] : memref<10240x128xf32, #tpu.memory_space<vmem_shared>> -> memref<10240x128xf32, #tpu.memory_space<vmem_shared>>
        tpu.enqueue_indirect_dma source(%arg8 : memref<64x128xf32, #tpu.memory_space<vmem>>) target(%dma_start3A_50 : memref<10240x128xf32, #tpu.memory_space<vmem_shared>>) offsets(%arg6 : memref<64xi32, #tpu.memory_space<vmem>>) semaphore(%run_scoped3A : memref<!tpu.dma_semaphore, #tpu.memory_space<semaphore_mem>>) {add = true}
        %dma_wait3A_51 = arith.constant 0 : i32
        %dma_wait3A_52 = arith.constant 0 : i32
        %dma_wait3A_53 = tpu.memref_slice %arg9[%dma_wait3A_51, %dma_wait3A_52] : memref<10240x128xf32, #tpu.memory_space<vmem_shared>> -> memref<10240x128xf32, #tpu.memory_space<vmem_shared>>
        tpu.wait_indirect_dma semaphore(%run_scoped3A : memref<!tpu.dma_semaphore, #tpu.memory_space<semaphore_mem>>) src(%arg8 : memref<64x128xf32, #tpu.memory_space<vmem>>) dst(%dma_wait3A_53 : memref<10240x128xf32, #tpu.memory_space<vmem_shared>>)
        tpu.yield
      }) : () -> ()
      %add3A_31 = arith.constant 2 : i32
      %add3A_32 = arith.addi %add3A_27, %add3A_31 : i32
      %lt3A = arith.constant 160 : i32
      %lt3A_33 = arith.cmpi slt, %add3A_32, %lt3A : i32
      %convert_element_type3A = arith.extui %lt3A_33 : i1 to i32
      %cond3A = arith.constant 0 : i32
      %cond3A_34 = arith.cmpi ne, %convert_element_type3A, %cond3A : i32
      scf.if %cond3A_34 {
        %add3A_48 = arith.constant 2 : i32
        %add3A_49 = arith.addi %add3A_27, %add3A_48 : i32
        %mul3A_50 = arith.constant 64 : i32
        %mul3A_51 = arith.muli %add3A_49, %mul3A_50 : i32
        %add3A_52 = arith.addi %mul3A_6, %mul3A_51 : i32
        %dma_start3A_53 = tpu.memref_slice %arg2[%add3A_52] : memref<327680xi32, #tpu.memory_space<hbm>> -> memref<64xi32, #tpu.memory_space<hbm>>
        %dma_start3A_54 = tpu.memref_slice %arg2[%add3A_52] : memref<327680xi32, #tpu.memory_space<hbm>> -> memref<64xi32, #tpu.memory_space<hbm>>
        tpu.enqueue_dma source(%dma_start3A_54 : memref<64xi32, #tpu.memory_space<hbm>>) target(%arg6 : memref<64xi32, #tpu.memory_space<vmem>>) target_semaphore(%arg10 : memref<!tpu.dma_semaphore, #tpu.memory_space<semaphore_mem>>)
      } else {
      }
      %add3A_35 = arith.constant 1 : i32
      %add3A_36 = arith.addi %mul3A_25, %add3A_35 : i32
      %dma_wait3A_37 = arith.constant 0 : i32
      %dma_wait3A_38 = tpu.memref_slice %arg2[%dma_wait3A_37] : memref<327680xi32, #tpu.memory_space<hbm>> -> memref<64xi32, #tpu.memory_space<hbm>>
      %dma_wait3A_39 = arith.constant 0 : i32
      %dma_wait3A_40 = tpu.memref_slice %arg2[%dma_wait3A_39] : memref<327680xi32, #tpu.memory_space<hbm>> -> memref<64xi32, #tpu.memory_space<hbm>>
      tpu.wait_dma2 semaphore(%arg11 : memref<!tpu.dma_semaphore, #tpu.memory_space<semaphore_mem>>) src(%dma_wait3A_40 : memref<64xi32, #tpu.memory_space<hbm>>) dst(%arg7 : memref<64xi32, #tpu.memory_space<vmem>>)
      "tpu.region"() ({
        %run_scoped3A = tpu.sem_alloc : memref<!tpu.dma_semaphore, #tpu.memory_space<semaphore_mem>>
        %dma_start3A_48 = arith.constant 0 : i32
        %dma_start3A_49 = arith.constant 0 : i32
        %dma_start3A_50 = tpu.memref_slice %arg9[%dma_start3A_48, %dma_start3A_49] : memref<10240x128xf32, #tpu.memory_space<vmem_shared>> -> memref<10240x128xf32, #tpu.memory_space<vmem_shared>>
        tpu.enqueue_indirect_dma source(%arg8 : memref<64x128xf32, #tpu.memory_space<vmem>>) target(%dma_start3A_50 : memref<10240x128xf32, #tpu.memory_space<vmem_shared>>) offsets(%arg7 : memref<64xi32, #tpu.memory_space<vmem>>) semaphore(%run_scoped3A : memref<!tpu.dma_semaphore, #tpu.memory_space<semaphore_mem>>) {add = true}
        %dma_wait3A_51 = arith.constant 0 : i32
        %dma_wait3A_52 = arith.constant 0 : i32
        %dma_wait3A_53 = tpu.memref_slice %arg9[%dma_wait3A_51, %dma_wait3A_52] : memref<10240x128xf32, #tpu.memory_space<vmem_shared>> -> memref<10240x128xf32, #tpu.memory_space<vmem_shared>>
        tpu.wait_indirect_dma semaphore(%run_scoped3A : memref<!tpu.dma_semaphore, #tpu.memory_space<semaphore_mem>>) src(%arg8 : memref<64x128xf32, #tpu.memory_space<vmem>>) dst(%dma_wait3A_53 : memref<10240x128xf32, #tpu.memory_space<vmem_shared>>)
        tpu.yield
      }) : () -> ()
      %add3A_41 = arith.constant 2 : i32
      %add3A_42 = arith.addi %add3A_36, %add3A_41 : i32
      %lt3A_43 = arith.constant 160 : i32
      %lt3A_44 = arith.cmpi slt, %add3A_42, %lt3A_43 : i32
      %convert_element_type3A_45 = arith.extui %lt3A_44 : i1 to i32
      %cond3A_46 = arith.constant 0 : i32
      %cond3A_47 = arith.cmpi ne, %convert_element_type3A_45, %cond3A_46 : i32
      scf.if %cond3A_47 {
        %add3A_48 = arith.constant 2 : i32
        %add3A_49 = arith.addi %add3A_36, %add3A_48 : i32
        %mul3A_50 = arith.constant 64 : i32
        %mul3A_51 = arith.muli %add3A_49, %mul3A_50 : i32
        %add3A_52 = arith.addi %mul3A_6, %mul3A_51 : i32
        %dma_start3A_53 = tpu.memref_slice %arg2[%add3A_52] : memref<327680xi32, #tpu.memory_space<hbm>> -> memref<64xi32, #tpu.memory_space<hbm>>
        %dma_start3A_54 = tpu.memref_slice %arg2[%add3A_52] : memref<327680xi32, #tpu.memory_space<hbm>> -> memref<64xi32, #tpu.memory_space<hbm>>
        tpu.enqueue_dma source(%dma_start3A_54 : memref<64xi32, #tpu.memory_space<hbm>>) target(%arg7 : memref<64xi32, #tpu.memory_space<vmem>>) target_semaphore(%arg11 : memref<!tpu.dma_semaphore, #tpu.memory_space<semaphore_mem>>)
      } else {
      }
    }
    %scan3A_17 = arith.constant 80 : i32
    %barrier3A_18 = arith.constant 0 : index
    tpu.barrier barrier_id(%barrier3A_18)
    "tpu.region"() ({
      %run_scoped3A = tpu.sem_alloc : memref<!tpu.dma_semaphore, #tpu.memory_space<semaphore_mem>>
      %dma_start3A_19 = arith.constant 0 : i32
      %dma_start3A_20 = tpu.memref_slice %arg5[%arg0, %mul3A_2, %dma_start3A_19] : memref<2x10240x128xf32, #tpu.memory_space<hbm>> -> memref<1x640x128xf32, #tpu.memory_space<hbm>>
      %dma_start3A_21 = tpu.memref_squeeze %dma_start3A_20 : memref<1x640x128xf32, #tpu.memory_space<hbm>> -> memref<640x128xf32, #tpu.memory_space<hbm>>
      %dma_start3A_22 = arith.constant 0 : i32
      %dma_start3A_23 = tpu.memref_slice %arg9[%mul3A_2, %dma_start3A_22] : memref<10240x128xf32, #tpu.memory_space<vmem_shared>> -> memref<640x128xf32, #tpu.memory_space<vmem_shared>>
      tpu.enqueue_dma source(%dma_start3A_23 : memref<640x128xf32, #tpu.memory_space<vmem_shared>>) target(%dma_start3A_21 : memref<640x128xf32, #tpu.memory_space<hbm>>) target_semaphore(%run_scoped3A : memref<!tpu.dma_semaphore, #tpu.memory_space<semaphore_mem>>)
      %dma_wait3A = arith.constant 0 : i32
      %dma_wait3A_24 = tpu.memref_slice %arg5[%arg0, %mul3A_2, %dma_wait3A] : memref<2x10240x128xf32, #tpu.memory_space<hbm>> -> memref<1x640x128xf32, #tpu.memory_space<hbm>>
      %dma_wait3A_25 = tpu.memref_squeeze %dma_wait3A_24 : memref<1x640x128xf32, #tpu.memory_space<hbm>> -> memref<640x128xf32, #tpu.memory_space<hbm>>
      %dma_wait3A_26 = arith.constant 0 : i32
      %dma_wait3A_27 = tpu.memref_slice %arg9[%mul3A_2, %dma_wait3A_26] : memref<10240x128xf32, #tpu.memory_space<vmem_shared>> -> memref<640x128xf32, #tpu.memory_space<vmem_shared>>
      tpu.wait_dma2 semaphore(%run_scoped3A : memref<!tpu.dma_semaphore, #tpu.memory_space<semaphore_mem>>) src(%dma_wait3A_27 : memref<640x128xf32, #tpu.memory_space<vmem_shared>>) dst(%dma_wait3A_25 : memref<640x128xf32, #tpu.memory_space<hbm>>)
      tpu.yield
    }) : () -> ()
    return
  }
}

#map = affine_map<(d0, d1) -> (0, 0)>
#map1 = affine_map<(d0, d1) -> (0)>
#map2 = affine_map<(d0, d1) -> (0, 0, 0)>
module attributes {stable_mosaic.version = 14 : i64} {
  func.func @sc_kernel(%arg0: i32, %arg1: i32, %arg2: memref<10000x128xf32, #tpu.memory_space<hbm>>, %arg3: memref<327680xi32, #tpu.memory_space<hbm>>, %arg4: memref<327680xi32, #tpu.memory_space<hbm>>, %arg5: memref<640x128xf32, #tpu.memory_space<hbm>>, %arg6: memref<2x10240x128xf32, #tpu.memory_space<hbm>>, %arg7: memref<10240xi32, #tpu.memory_space<vmem>>, %arg8: memref<64xi32, #tpu.memory_space<vmem>>, %arg9: memref<64xi32, #tpu.memory_space<vmem>>, %arg10: memref<64xi32, #tpu.memory_space<vmem>>, %arg11: memref<64xi32, #tpu.memory_space<vmem>>, %arg12: memref<64x128xf32, #tpu.memory_space<vmem>>, %arg13: memref<64x128xf32, #tpu.memory_space<vmem>>, %arg14: memref<64x128xf32, #tpu.memory_space<vmem>>, %arg15: memref<64x128xf32, #tpu.memory_space<vmem>>, %arg16: memref<10240x128xf32, #tpu.memory_space<vmem_shared>>, %arg17: memref<!tpu.dma_semaphore, #tpu.memory_space<semaphore_mem>>, %arg18: memref<!tpu.dma_semaphore, #tpu.memory_space<semaphore_mem>>, %arg19: memref<!tpu.dma_semaphore, #tpu.memory_space<semaphore_mem>>, %arg20: memref<!tpu.dma_semaphore, #tpu.memory_space<semaphore_mem>>, %arg21: memref<!tpu.dma_semaphore, #tpu.memory_space<semaphore_mem>>, %arg22: memref<!tpu.dma_semaphore, #tpu.memory_space<semaphore_mem>>, %arg23: memref<!tpu.dma_semaphore, #tpu.memory_space<semaphore_mem>>, %arg24: memref<!tpu.dma_semaphore, #tpu.memory_space<semaphore_mem>>) attributes {dimension_semantics = [#tpu.dimension_semantics<core_parallel>, #tpu.dimension_semantics<subcore_parallel>], iteration_bounds = array<i64: 2, 16>, scalar_prefetch = 0 : i64, scratch_operands = 18 : i64, tpu.core_type = #tpu.core_type<sc_vector_subcore>, window_params = [{transform_indices = #map}, {transform_indices = #map1}, {transform_indices = #map1}, {transform_indices = #map}, {transform_indices = #map2}]} {
    %mul3A = arith.constant 2 : i32
    %mul3A_0 = arith.muli %arg1, %mul3A : i32
    %add3A = arith.addi %mul3A_0, %arg0 : i32
    %mul3A_1 = arith.constant 640 : i32
    %mul3A_2 = arith.muli %arg1, %mul3A_1 : i32
    %mul3A_3 = arith.constant 80 : i32
    %mul3A_4 = arith.muli %add3A, %mul3A_3 : i32
    %mul3A_5 = arith.constant 128 : i32
    %mul3A_6 = arith.muli %mul3A_4, %mul3A_5 : i32
    "tpu.region"() ({
      %run_scoped3A = tpu.sem_alloc : memref<!tpu.dma_semaphore, #tpu.memory_space<semaphore_mem>>
      %dma_start3A_47 = tpu.memref_slice %arg3[%mul3A_6] : memref<327680xi32, #tpu.memory_space<hbm>> -> memref<10240xi32, #tpu.memory_space<hbm>>
      %dma_start3A_48 = tpu.memref_slice %arg3[%mul3A_6] : memref<327680xi32, #tpu.memory_space<hbm>> -> memref<10240xi32, #tpu.memory_space<hbm>>
      tpu.enqueue_dma source(%dma_start3A_48 : memref<10240xi32, #tpu.memory_space<hbm>>) target(%arg7 : memref<10240xi32, #tpu.memory_space<vmem>>) target_semaphore(%run_scoped3A : memref<!tpu.dma_semaphore, #tpu.memory_space<semaphore_mem>>)
      %dma_wait3A = tpu.memref_slice %arg3[%mul3A_6] : memref<327680xi32, #tpu.memory_space<hbm>> -> memref<10240xi32, #tpu.memory_space<hbm>>
      %dma_wait3A_49 = tpu.memref_slice %arg3[%mul3A_6] : memref<327680xi32, #tpu.memory_space<hbm>> -> memref<10240xi32, #tpu.memory_space<hbm>>
      tpu.wait_dma2 semaphore(%run_scoped3A : memref<!tpu.dma_semaphore, #tpu.memory_space<semaphore_mem>>) src(%dma_wait3A_49 : memref<10240xi32, #tpu.memory_space<hbm>>) dst(%arg7 : memref<10240xi32, #tpu.memory_space<vmem>>)
      tpu.yield
    }) : () -> ()
    "tpu.region"() ({
      %run_scoped3A = tpu.sem_alloc : memref<!tpu.dma_semaphore, #tpu.memory_space<semaphore_mem>>
      %dma_start3A_47 = arith.constant 0 : i32
      %dma_start3A_48 = tpu.memref_slice %arg16[%mul3A_2, %dma_start3A_47] : memref<10240x128xf32, #tpu.memory_space<vmem_shared>> -> memref<640x128xf32, #tpu.memory_space<vmem_shared>>
      tpu.enqueue_dma source(%arg5 : memref<640x128xf32, #tpu.memory_space<hbm>>) target(%dma_start3A_48 : memref<640x128xf32, #tpu.memory_space<vmem_shared>>) target_semaphore(%run_scoped3A : memref<!tpu.dma_semaphore, #tpu.memory_space<semaphore_mem>>)
      %dma_wait3A = arith.constant 0 : i32
      %dma_wait3A_49 = tpu.memref_slice %arg16[%mul3A_2, %dma_wait3A] : memref<10240x128xf32, #tpu.memory_space<vmem_shared>> -> memref<640x128xf32, #tpu.memory_space<vmem_shared>>
      tpu.wait_dma2 semaphore(%run_scoped3A : memref<!tpu.dma_semaphore, #tpu.memory_space<semaphore_mem>>) src(%arg5 : memref<640x128xf32, #tpu.memory_space<hbm>>) dst(%dma_wait3A_49 : memref<640x128xf32, #tpu.memory_space<vmem_shared>>)
      tpu.yield
    }) : () -> ()
    %add3A_7 = arith.constant 0 : i32
    %add3A_8 = arith.addi %mul3A_6, %add3A_7 : i32
    %dma_start3A = tpu.memref_slice %arg4[%add3A_8] : memref<327680xi32, #tpu.memory_space<hbm>> -> memref<64xi32, #tpu.memory_space<hbm>>
    %dma_start3A_9 = tpu.memref_slice %arg4[%add3A_8] : memref<327680xi32, #tpu.memory_space<hbm>> -> memref<64xi32, #tpu.memory_space<hbm>>
    tpu.enqueue_dma source(%dma_start3A_9 : memref<64xi32, #tpu.memory_space<hbm>>) target(%arg8 : memref<64xi32, #tpu.memory_space<vmem>>) target_semaphore(%arg21 : memref<!tpu.dma_semaphore, #tpu.memory_space<semaphore_mem>>)
    %dma_start3A_10 = arith.constant 0 : i32
    %dma_start3A_11 = tpu.memref_slice %arg7[%dma_start3A_10] : memref<10240xi32, #tpu.memory_space<vmem>> -> memref<64xi32, #tpu.memory_space<vmem>>
    %dma_start3A_12 = arith.constant 0 : i32
    %dma_start3A_13 = arith.constant 0 : i32
    %dma_start3A_14 = tpu.memref_slice %arg2[%dma_start3A_12, %dma_start3A_13] : memref<10000x128xf32, #tpu.memory_space<hbm>> -> memref<10000x128xf32, #tpu.memory_space<hbm>>
    tpu.enqueue_indirect_dma source(%dma_start3A_14 : memref<10000x128xf32, #tpu.memory_space<hbm>>) target(%arg12 : memref<64x128xf32, #tpu.memory_space<vmem>>) offsets(%dma_start3A_11 : memref<64xi32, #tpu.memory_space<vmem>>) semaphore(%arg17 : memref<!tpu.dma_semaphore, #tpu.memory_space<semaphore_mem>>)
    %add3A_15 = arith.constant 64 : i32
    %add3A_16 = arith.addi %mul3A_6, %add3A_15 : i32
    %dma_start3A_17 = tpu.memref_slice %arg4[%add3A_16] : memref<327680xi32, #tpu.memory_space<hbm>> -> memref<64xi32, #tpu.memory_space<hbm>>
    %dma_start3A_18 = tpu.memref_slice %arg4[%add3A_16] : memref<327680xi32, #tpu.memory_space<hbm>> -> memref<64xi32, #tpu.memory_space<hbm>>
    tpu.enqueue_dma source(%dma_start3A_18 : memref<64xi32, #tpu.memory_space<hbm>>) target(%arg9 : memref<64xi32, #tpu.memory_space<vmem>>) target_semaphore(%arg22 : memref<!tpu.dma_semaphore, #tpu.memory_space<semaphore_mem>>)
    %dma_start3A_19 = arith.constant 64 : i32
    %dma_start3A_20 = tpu.memref_slice %arg7[%dma_start3A_19] : memref<10240xi32, #tpu.memory_space<vmem>> -> memref<64xi32, #tpu.memory_space<vmem>>
    %dma_start3A_21 = arith.constant 0 : i32
    %dma_start3A_22 = arith.constant 0 : i32
    %dma_start3A_23 = tpu.memref_slice %arg2[%dma_start3A_21, %dma_start3A_22] : memref<10000x128xf32, #tpu.memory_space<hbm>> -> memref<10000x128xf32, #tpu.memory_space<hbm>>
    tpu.enqueue_indirect_dma source(%dma_start3A_23 : memref<10000x128xf32, #tpu.memory_space<hbm>>) target(%arg13 : memref<64x128xf32, #tpu.memory_space<vmem>>) offsets(%dma_start3A_20 : memref<64xi32, #tpu.memory_space<vmem>>) semaphore(%arg18 : memref<!tpu.dma_semaphore, #tpu.memory_space<semaphore_mem>>)
    %add3A_24 = arith.constant 128 : i32
    %add3A_25 = arith.addi %mul3A_6, %add3A_24 : i32
    %dma_start3A_26 = tpu.memref_slice %arg4[%add3A_25] : memref<327680xi32, #tpu.memory_space<hbm>> -> memref<64xi32, #tpu.memory_space<hbm>>
    %dma_start3A_27 = tpu.memref_slice %arg4[%add3A_25] : memref<327680xi32, #tpu.memory_space<hbm>> -> memref<64xi32, #tpu.memory_space<hbm>>
    tpu.enqueue_dma source(%dma_start3A_27 : memref<64xi32, #tpu.memory_space<hbm>>) target(%arg10 : memref<64xi32, #tpu.memory_space<vmem>>) target_semaphore(%arg23 : memref<!tpu.dma_semaphore, #tpu.memory_space<semaphore_mem>>)
    %dma_start3A_28 = arith.constant 128 : i32
    %dma_start3A_29 = tpu.memref_slice %arg7[%dma_start3A_28] : memref<10240xi32, #tpu.memory_space<vmem>> -> memref<64xi32, #tpu.memory_space<vmem>>
    %dma_start3A_30 = arith.constant 0 : i32
    %dma_start3A_31 = arith.constant 0 : i32
    %dma_start3A_32 = tpu.memref_slice %arg2[%dma_start3A_30, %dma_start3A_31] : memref<10000x128xf32, #tpu.memory_space<hbm>> -> memref<10000x128xf32, #tpu.memory_space<hbm>>
    tpu.enqueue_indirect_dma source(%dma_start3A_32 : memref<10000x128xf32, #tpu.memory_space<hbm>>) target(%arg14 : memref<64x128xf32, #tpu.memory_space<vmem>>) offsets(%dma_start3A_29 : memref<64xi32, #tpu.memory_space<vmem>>) semaphore(%arg19 : memref<!tpu.dma_semaphore, #tpu.memory_space<semaphore_mem>>)
    %add3A_33 = arith.constant 192 : i32
    %add3A_34 = arith.addi %mul3A_6, %add3A_33 : i32
    %dma_start3A_35 = tpu.memref_slice %arg4[%add3A_34] : memref<327680xi32, #tpu.memory_space<hbm>> -> memref<64xi32, #tpu.memory_space<hbm>>
    %dma_start3A_36 = tpu.memref_slice %arg4[%add3A_34] : memref<327680xi32, #tpu.memory_space<hbm>> -> memref<64xi32, #tpu.memory_space<hbm>>
    tpu.enqueue_dma source(%dma_start3A_36 : memref<64xi32, #tpu.memory_space<hbm>>) target(%arg11 : memref<64xi32, #tpu.memory_space<vmem>>) target_semaphore(%arg24 : memref<!tpu.dma_semaphore, #tpu.memory_space<semaphore_mem>>)
    %dma_start3A_37 = arith.constant 192 : i32
    %dma_start3A_38 = tpu.memref_slice %arg7[%dma_start3A_37] : memref<10240xi32, #tpu.memory_space<vmem>> -> memref<64xi32, #tpu.memory_space<vmem>>
    %dma_start3A_39 = arith.constant 0 : i32
    %dma_start3A_40 = arith.constant 0 : i32
    %dma_start3A_41 = tpu.memref_slice %arg2[%dma_start3A_39, %dma_start3A_40] : memref<10000x128xf32, #tpu.memory_space<hbm>> -> memref<10000x128xf32, #tpu.memory_space<hbm>>
    tpu.enqueue_indirect_dma source(%dma_start3A_41 : memref<10000x128xf32, #tpu.memory_space<hbm>>) target(%arg15 : memref<64x128xf32, #tpu.memory_space<vmem>>) offsets(%dma_start3A_38 : memref<64xi32, #tpu.memory_space<vmem>>) semaphore(%arg20 : memref<!tpu.dma_semaphore, #tpu.memory_space<semaphore_mem>>)
    %barrier3A = arith.constant 0 : index
    tpu.barrier barrier_id(%barrier3A)
    %scan3A = arith.constant 0 : i32
    %scan3A_42 = arith.constant 40 : i32
    %scan3A_43 = arith.addi %scan3A, %scan3A_42 : i32
    %scan3A_44 = arith.constant 1 : i32
    scf.for %scan3A_47 = %scan3A to %scan3A_43 step %scan3A_44  : i32 {
      %mul3A_48 = arith.constant 1 : i32
      %mul3A_49 = arith.muli %scan3A_47, %mul3A_48 : i32
      %add3A_50 = arith.constant 0 : i32
      %add3A_51 = arith.addi %add3A_50, %mul3A_49 : i32
      %mul3A_52 = arith.constant 4 : i32
      %mul3A_53 = arith.muli %add3A_51, %mul3A_52 : i32
      %add3A_54 = arith.constant 0 : i32
      %add3A_55 = arith.addi %mul3A_53, %add3A_54 : i32
      %dma_wait3A = arith.constant 0 : i32
      %dma_wait3A_56 = tpu.memref_slice %arg4[%dma_wait3A] : memref<327680xi32, #tpu.memory_space<hbm>> -> memref<64xi32, #tpu.memory_space<hbm>>
      %dma_wait3A_57 = arith.constant 0 : i32
      %dma_wait3A_58 = tpu.memref_slice %arg4[%dma_wait3A_57] : memref<327680xi32, #tpu.memory_space<hbm>> -> memref<64xi32, #tpu.memory_space<hbm>>
      tpu.wait_dma2 semaphore(%arg21 : memref<!tpu.dma_semaphore, #tpu.memory_space<semaphore_mem>>) src(%dma_wait3A_58 : memref<64xi32, #tpu.memory_space<hbm>>) dst(%arg8 : memref<64xi32, #tpu.memory_space<vmem>>)
      %dma_wait3A_59 = arith.constant 0 : i32
      %dma_wait3A_60 = arith.constant 0 : i32
      %dma_wait3A_61 = tpu.memref_slice %arg2[%dma_wait3A_59, %dma_wait3A_60] : memref<10000x128xf32, #tpu.memory_space<hbm>> -> memref<64x128xf32, #tpu.memory_space<hbm>>
      %dma_wait3A_62 = arith.constant 0 : i32
      %dma_wait3A_63 = arith.constant 0 : i32
      %dma_wait3A_64 = tpu.memref_slice %arg2[%dma_wait3A_62, %dma_wait3A_63] : memref<10000x128xf32, #tpu.memory_space<hbm>> -> memref<64x128xf32, #tpu.memory_space<hbm>>
      tpu.wait_dma2 semaphore(%arg17 : memref<!tpu.dma_semaphore, #tpu.memory_space<semaphore_mem>>) src(%dma_wait3A_64 : memref<64x128xf32, #tpu.memory_space<hbm>>) dst(%arg12 : memref<64x128xf32, #tpu.memory_space<vmem>>)
      "tpu.region"() ({
        %run_scoped3A = tpu.sem_alloc : memref<!tpu.dma_semaphore, #tpu.memory_space<semaphore_mem>>
        %dma_start3A_126 = arith.constant 0 : i32
        %dma_start3A_127 = arith.constant 0 : i32
        %dma_start3A_128 = tpu.memref_slice %arg16[%dma_start3A_126, %dma_start3A_127] : memref<10240x128xf32, #tpu.memory_space<vmem_shared>> -> memref<10240x128xf32, #tpu.memory_space<vmem_shared>>
        tpu.enqueue_indirect_dma source(%arg12 : memref<64x128xf32, #tpu.memory_space<vmem>>) target(%dma_start3A_128 : memref<10240x128xf32, #tpu.memory_space<vmem_shared>>) offsets(%arg8 : memref<64xi32, #tpu.memory_space<vmem>>) semaphore(%run_scoped3A : memref<!tpu.dma_semaphore, #tpu.memory_space<semaphore_mem>>) {add = true}
        %dma_wait3A_129 = arith.constant 0 : i32
        %dma_wait3A_130 = arith.constant 0 : i32
        %dma_wait3A_131 = tpu.memref_slice %arg16[%dma_wait3A_129, %dma_wait3A_130] : memref<10240x128xf32, #tpu.memory_space<vmem_shared>> -> memref<10240x128xf32, #tpu.memory_space<vmem_shared>>
        tpu.wait_indirect_dma semaphore(%run_scoped3A : memref<!tpu.dma_semaphore, #tpu.memory_space<semaphore_mem>>) src(%arg12 : memref<64x128xf32, #tpu.memory_space<vmem>>) dst(%dma_wait3A_131 : memref<10240x128xf32, #tpu.memory_space<vmem_shared>>)
        tpu.yield
      }) : () -> ()
      %add3A_65 = arith.constant 4 : i32
      %add3A_66 = arith.addi %add3A_55, %add3A_65 : i32
      %lt3A = arith.constant 160 : i32
      %lt3A_67 = arith.cmpi slt, %add3A_66, %lt3A : i32
      %convert_element_type3A = arith.extui %lt3A_67 : i1 to i32
      %cond3A = arith.constant 0 : i32
      %cond3A_68 = arith.cmpi ne, %convert_element_type3A, %cond3A : i32
      scf.if %cond3A_68 {
        %add3A_126 = arith.constant 4 : i32
        %add3A_127 = arith.addi %add3A_55, %add3A_126 : i32
        %mul3A_128 = arith.constant 64 : i32
        %mul3A_129 = arith.muli %add3A_127, %mul3A_128 : i32
        %add3A_130 = arith.addi %mul3A_6, %mul3A_129 : i32
        %dma_start3A_131 = tpu.memref_slice %arg4[%add3A_130] : memref<327680xi32, #tpu.memory_space<hbm>> -> memref<64xi32, #tpu.memory_space<hbm>>
        %dma_start3A_132 = tpu.memref_slice %arg4[%add3A_130] : memref<327680xi32, #tpu.memory_space<hbm>> -> memref<64xi32, #tpu.memory_space<hbm>>
        tpu.enqueue_dma source(%dma_start3A_132 : memref<64xi32, #tpu.memory_space<hbm>>) target(%arg8 : memref<64xi32, #tpu.memory_space<vmem>>) target_semaphore(%arg21 : memref<!tpu.dma_semaphore, #tpu.memory_space<semaphore_mem>>)
        %mul3A_133 = arith.constant 64 : i32
        %mul3A_134 = arith.muli %add3A_127, %mul3A_133 : i32
        %dma_start3A_135 = tpu.memref_slice %arg7[%mul3A_134] : memref<10240xi32, #tpu.memory_space<vmem>> -> memref<64xi32, #tpu.memory_space<vmem>>
        %dma_start3A_136 = arith.constant 0 : i32
        %dma_start3A_137 = arith.constant 0 : i32
        %dma_start3A_138 = tpu.memref_slice %arg2[%dma_start3A_136, %dma_start3A_137] : memref<10000x128xf32, #tpu.memory_space<hbm>> -> memref<10000x128xf32, #tpu.memory_space<hbm>>
        tpu.enqueue_indirect_dma source(%dma_start3A_138 : memref<10000x128xf32, #tpu.memory_space<hbm>>) target(%arg12 : memref<64x128xf32, #tpu.memory_space<vmem>>) offsets(%dma_start3A_135 : memref<64xi32, #tpu.memory_space<vmem>>) semaphore(%arg17 : memref<!tpu.dma_semaphore, #tpu.memory_space<semaphore_mem>>)
      } else {
      }
      %add3A_69 = arith.constant 1 : i32
      %add3A_70 = arith.addi %mul3A_53, %add3A_69 : i32
      %dma_wait3A_71 = arith.constant 0 : i32
      %dma_wait3A_72 = tpu.memref_slice %arg4[%dma_wait3A_71] : memref<327680xi32, #tpu.memory_space<hbm>> -> memref<64xi32, #tpu.memory_space<hbm>>
      %dma_wait3A_73 = arith.constant 0 : i32
      %dma_wait3A_74 = tpu.memref_slice %arg4[%dma_wait3A_73] : memref<327680xi32, #tpu.memory_space<hbm>> -> memref<64xi32, #tpu.memory_space<hbm>>
      tpu.wait_dma2 semaphore(%arg22 : memref<!tpu.dma_semaphore, #tpu.memory_space<semaphore_mem>>) src(%dma_wait3A_74 : memref<64xi32, #tpu.memory_space<hbm>>) dst(%arg9 : memref<64xi32, #tpu.memory_space<vmem>>)
      %dma_wait3A_75 = arith.constant 0 : i32
      %dma_wait3A_76 = arith.constant 0 : i32
      %dma_wait3A_77 = tpu.memref_slice %arg2[%dma_wait3A_75, %dma_wait3A_76] : memref<10000x128xf32, #tpu.memory_space<hbm>> -> memref<64x128xf32, #tpu.memory_space<hbm>>
      %dma_wait3A_78 = arith.constant 0 : i32
      %dma_wait3A_79 = arith.constant 0 : i32
      %dma_wait3A_80 = tpu.memref_slice %arg2[%dma_wait3A_78, %dma_wait3A_79] : memref<10000x128xf32, #tpu.memory_space<hbm>> -> memref<64x128xf32, #tpu.memory_space<hbm>>
      tpu.wait_dma2 semaphore(%arg18 : memref<!tpu.dma_semaphore, #tpu.memory_space<semaphore_mem>>) src(%dma_wait3A_80 : memref<64x128xf32, #tpu.memory_space<hbm>>) dst(%arg13 : memref<64x128xf32, #tpu.memory_space<vmem>>)
      "tpu.region"() ({
        %run_scoped3A = tpu.sem_alloc : memref<!tpu.dma_semaphore, #tpu.memory_space<semaphore_mem>>
        %dma_start3A_126 = arith.constant 0 : i32
        %dma_start3A_127 = arith.constant 0 : i32
        %dma_start3A_128 = tpu.memref_slice %arg16[%dma_start3A_126, %dma_start3A_127] : memref<10240x128xf32, #tpu.memory_space<vmem_shared>> -> memref<10240x128xf32, #tpu.memory_space<vmem_shared>>
        tpu.enqueue_indirect_dma source(%arg13 : memref<64x128xf32, #tpu.memory_space<vmem>>) target(%dma_start3A_128 : memref<10240x128xf32, #tpu.memory_space<vmem_shared>>) offsets(%arg9 : memref<64xi32, #tpu.memory_space<vmem>>) semaphore(%run_scoped3A : memref<!tpu.dma_semaphore, #tpu.memory_space<semaphore_mem>>) {add = true}
        %dma_wait3A_129 = arith.constant 0 : i32
        %dma_wait3A_130 = arith.constant 0 : i32
        %dma_wait3A_131 = tpu.memref_slice %arg16[%dma_wait3A_129, %dma_wait3A_130] : memref<10240x128xf32, #tpu.memory_space<vmem_shared>> -> memref<10240x128xf32, #tpu.memory_space<vmem_shared>>
        tpu.wait_indirect_dma semaphore(%run_scoped3A : memref<!tpu.dma_semaphore, #tpu.memory_space<semaphore_mem>>) src(%arg13 : memref<64x128xf32, #tpu.memory_space<vmem>>) dst(%dma_wait3A_131 : memref<10240x128xf32, #tpu.memory_space<vmem_shared>>)
        tpu.yield
      }) : () -> ()
      %add3A_81 = arith.constant 4 : i32
      %add3A_82 = arith.addi %add3A_70, %add3A_81 : i32
      %lt3A_83 = arith.constant 160 : i32
      %lt3A_84 = arith.cmpi slt, %add3A_82, %lt3A_83 : i32
      %convert_element_type3A_85 = arith.extui %lt3A_84 : i1 to i32
      %cond3A_86 = arith.constant 0 : i32
      %cond3A_87 = arith.cmpi ne, %convert_element_type3A_85, %cond3A_86 : i32
      scf.if %cond3A_87 {
        %add3A_126 = arith.constant 4 : i32
        %add3A_127 = arith.addi %add3A_70, %add3A_126 : i32
        %mul3A_128 = arith.constant 64 : i32
        %mul3A_129 = arith.muli %add3A_127, %mul3A_128 : i32
        %add3A_130 = arith.addi %mul3A_6, %mul3A_129 : i32
        %dma_start3A_131 = tpu.memref_slice %arg4[%add3A_130] : memref<327680xi32, #tpu.memory_space<hbm>> -> memref<64xi32, #tpu.memory_space<hbm>>
        %dma_start3A_132 = tpu.memref_slice %arg4[%add3A_130] : memref<327680xi32, #tpu.memory_space<hbm>> -> memref<64xi32, #tpu.memory_space<hbm>>
        tpu.enqueue_dma source(%dma_start3A_132 : memref<64xi32, #tpu.memory_space<hbm>>) target(%arg9 : memref<64xi32, #tpu.memory_space<vmem>>) target_semaphore(%arg22 : memref<!tpu.dma_semaphore, #tpu.memory_space<semaphore_mem>>)
        %mul3A_133 = arith.constant 64 : i32
        %mul3A_134 = arith.muli %add3A_127, %mul3A_133 : i32
        %dma_start3A_135 = tpu.memref_slice %arg7[%mul3A_134] : memref<10240xi32, #tpu.memory_space<vmem>> -> memref<64xi32, #tpu.memory_space<vmem>>
        %dma_start3A_136 = arith.constant 0 : i32
        %dma_start3A_137 = arith.constant 0 : i32
        %dma_start3A_138 = tpu.memref_slice %arg2[%dma_start3A_136, %dma_start3A_137] : memref<10000x128xf32, #tpu.memory_space<hbm>> -> memref<10000x128xf32, #tpu.memory_space<hbm>>
        tpu.enqueue_indirect_dma source(%dma_start3A_138 : memref<10000x128xf32, #tpu.memory_space<hbm>>) target(%arg13 : memref<64x128xf32, #tpu.memory_space<vmem>>) offsets(%dma_start3A_135 : memref<64xi32, #tpu.memory_space<vmem>>) semaphore(%arg18 : memref<!tpu.dma_semaphore, #tpu.memory_space<semaphore_mem>>)
      } else {
      }
      %add3A_88 = arith.constant 2 : i32
      %add3A_89 = arith.addi %mul3A_53, %add3A_88 : i32
      %dma_wait3A_90 = arith.constant 0 : i32
      %dma_wait3A_91 = tpu.memref_slice %arg4[%dma_wait3A_90] : memref<327680xi32, #tpu.memory_space<hbm>> -> memref<64xi32, #tpu.memory_space<hbm>>
      %dma_wait3A_92 = arith.constant 0 : i32
      %dma_wait3A_93 = tpu.memref_slice %arg4[%dma_wait3A_92] : memref<327680xi32, #tpu.memory_space<hbm>> -> memref<64xi32, #tpu.memory_space<hbm>>
      tpu.wait_dma2 semaphore(%arg23 : memref<!tpu.dma_semaphore, #tpu.memory_space<semaphore_mem>>) src(%dma_wait3A_93 : memref<64xi32, #tpu.memory_space<hbm>>) dst(%arg10 : memref<64xi32, #tpu.memory_space<vmem>>)
      %dma_wait3A_94 = arith.constant 0 : i32
      %dma_wait3A_95 = arith.constant 0 : i32
      %dma_wait3A_96 = tpu.memref_slice %arg2[%dma_wait3A_94, %dma_wait3A_95] : memref<10000x128xf32, #tpu.memory_space<hbm>> -> memref<64x128xf32, #tpu.memory_space<hbm>>
      %dma_wait3A_97 = arith.constant 0 : i32
      %dma_wait3A_98 = arith.constant 0 : i32
      %dma_wait3A_99 = tpu.memref_slice %arg2[%dma_wait3A_97, %dma_wait3A_98] : memref<10000x128xf32, #tpu.memory_space<hbm>> -> memref<64x128xf32, #tpu.memory_space<hbm>>
      tpu.wait_dma2 semaphore(%arg19 : memref<!tpu.dma_semaphore, #tpu.memory_space<semaphore_mem>>) src(%dma_wait3A_99 : memref<64x128xf32, #tpu.memory_space<hbm>>) dst(%arg14 : memref<64x128xf32, #tpu.memory_space<vmem>>)
      "tpu.region"() ({
        %run_scoped3A = tpu.sem_alloc : memref<!tpu.dma_semaphore, #tpu.memory_space<semaphore_mem>>
        %dma_start3A_126 = arith.constant 0 : i32
        %dma_start3A_127 = arith.constant 0 : i32
        %dma_start3A_128 = tpu.memref_slice %arg16[%dma_start3A_126, %dma_start3A_127] : memref<10240x128xf32, #tpu.memory_space<vmem_shared>> -> memref<10240x128xf32, #tpu.memory_space<vmem_shared>>
        tpu.enqueue_indirect_dma source(%arg14 : memref<64x128xf32, #tpu.memory_space<vmem>>) target(%dma_start3A_128 : memref<10240x128xf32, #tpu.memory_space<vmem_shared>>) offsets(%arg10 : memref<64xi32, #tpu.memory_space<vmem>>) semaphore(%run_scoped3A : memref<!tpu.dma_semaphore, #tpu.memory_space<semaphore_mem>>) {add = true}
        %dma_wait3A_129 = arith.constant 0 : i32
        %dma_wait3A_130 = arith.constant 0 : i32
        %dma_wait3A_131 = tpu.memref_slice %arg16[%dma_wait3A_129, %dma_wait3A_130] : memref<10240x128xf32, #tpu.memory_space<vmem_shared>> -> memref<10240x128xf32, #tpu.memory_space<vmem_shared>>
        tpu.wait_indirect_dma semaphore(%run_scoped3A : memref<!tpu.dma_semaphore, #tpu.memory_space<semaphore_mem>>) src(%arg14 : memref<64x128xf32, #tpu.memory_space<vmem>>) dst(%dma_wait3A_131 : memref<10240x128xf32, #tpu.memory_space<vmem_shared>>)
        tpu.yield
      }) : () -> ()
      %add3A_100 = arith.constant 4 : i32
      %add3A_101 = arith.addi %add3A_89, %add3A_100 : i32
      %lt3A_102 = arith.constant 160 : i32
      %lt3A_103 = arith.cmpi slt, %add3A_101, %lt3A_102 : i32
      %convert_element_type3A_104 = arith.extui %lt3A_103 : i1 to i32
      %cond3A_105 = arith.constant 0 : i32
      %cond3A_106 = arith.cmpi ne, %convert_element_type3A_104, %cond3A_105 : i32
      scf.if %cond3A_106 {
        %add3A_126 = arith.constant 4 : i32
        %add3A_127 = arith.addi %add3A_89, %add3A_126 : i32
        %mul3A_128 = arith.constant 64 : i32
        %mul3A_129 = arith.muli %add3A_127, %mul3A_128 : i32
        %add3A_130 = arith.addi %mul3A_6, %mul3A_129 : i32
        %dma_start3A_131 = tpu.memref_slice %arg4[%add3A_130] : memref<327680xi32, #tpu.memory_space<hbm>> -> memref<64xi32, #tpu.memory_space<hbm>>
        %dma_start3A_132 = tpu.memref_slice %arg4[%add3A_130] : memref<327680xi32, #tpu.memory_space<hbm>> -> memref<64xi32, #tpu.memory_space<hbm>>
        tpu.enqueue_dma source(%dma_start3A_132 : memref<64xi32, #tpu.memory_space<hbm>>) target(%arg10 : memref<64xi32, #tpu.memory_space<vmem>>) target_semaphore(%arg23 : memref<!tpu.dma_semaphore, #tpu.memory_space<semaphore_mem>>)
        %mul3A_133 = arith.constant 64 : i32
        %mul3A_134 = arith.muli %add3A_127, %mul3A_133 : i32
        %dma_start3A_135 = tpu.memref_slice %arg7[%mul3A_134] : memref<10240xi32, #tpu.memory_space<vmem>> -> memref<64xi32, #tpu.memory_space<vmem>>
        %dma_start3A_136 = arith.constant 0 : i32
        %dma_start3A_137 = arith.constant 0 : i32
        %dma_start3A_138 = tpu.memref_slice %arg2[%dma_start3A_136, %dma_start3A_137] : memref<10000x128xf32, #tpu.memory_space<hbm>> -> memref<10000x128xf32, #tpu.memory_space<hbm>>
        tpu.enqueue_indirect_dma source(%dma_start3A_138 : memref<10000x128xf32, #tpu.memory_space<hbm>>) target(%arg14 : memref<64x128xf32, #tpu.memory_space<vmem>>) offsets(%dma_start3A_135 : memref<64xi32, #tpu.memory_space<vmem>>) semaphore(%arg19 : memref<!tpu.dma_semaphore, #tpu.memory_space<semaphore_mem>>)
      } else {
      }
      %add3A_107 = arith.constant 3 : i32
      %add3A_108 = arith.addi %mul3A_53, %add3A_107 : i32
      %dma_wait3A_109 = arith.constant 0 : i32
      %dma_wait3A_110 = tpu.memref_slice %arg4[%dma_wait3A_109] : memref<327680xi32, #tpu.memory_space<hbm>> -> memref<64xi32, #tpu.memory_space<hbm>>
      %dma_wait3A_111 = arith.constant 0 : i32
      %dma_wait3A_112 = tpu.memref_slice %arg4[%dma_wait3A_111] : memref<327680xi32, #tpu.memory_space<hbm>> -> memref<64xi32, #tpu.memory_space<hbm>>
      tpu.wait_dma2 semaphore(%arg24 : memref<!tpu.dma_semaphore, #tpu.memory_space<semaphore_mem>>) src(%dma_wait3A_112 : memref<64xi32, #tpu.memory_space<hbm>>) dst(%arg11 : memref<64xi32, #tpu.memory_space<vmem>>)
      %dma_wait3A_113 = arith.constant 0 : i32
      %dma_wait3A_114 = arith.constant 0 : i32
      %dma_wait3A_115 = tpu.memref_slice %arg2[%dma_wait3A_113, %dma_wait3A_114] : memref<10000x128xf32, #tpu.memory_space<hbm>> -> memref<64x128xf32, #tpu.memory_space<hbm>>
      %dma_wait3A_116 = arith.constant 0 : i32
      %dma_wait3A_117 = arith.constant 0 : i32
      %dma_wait3A_118 = tpu.memref_slice %arg2[%dma_wait3A_116, %dma_wait3A_117] : memref<10000x128xf32, #tpu.memory_space<hbm>> -> memref<64x128xf32, #tpu.memory_space<hbm>>
      tpu.wait_dma2 semaphore(%arg20 : memref<!tpu.dma_semaphore, #tpu.memory_space<semaphore_mem>>) src(%dma_wait3A_118 : memref<64x128xf32, #tpu.memory_space<hbm>>) dst(%arg15 : memref<64x128xf32, #tpu.memory_space<vmem>>)
      "tpu.region"() ({
        %run_scoped3A = tpu.sem_alloc : memref<!tpu.dma_semaphore, #tpu.memory_space<semaphore_mem>>
        %dma_start3A_126 = arith.constant 0 : i32
        %dma_start3A_127 = arith.constant 0 : i32
        %dma_start3A_128 = tpu.memref_slice %arg16[%dma_start3A_126, %dma_start3A_127] : memref<10240x128xf32, #tpu.memory_space<vmem_shared>> -> memref<10240x128xf32, #tpu.memory_space<vmem_shared>>
        tpu.enqueue_indirect_dma source(%arg15 : memref<64x128xf32, #tpu.memory_space<vmem>>) target(%dma_start3A_128 : memref<10240x128xf32, #tpu.memory_space<vmem_shared>>) offsets(%arg11 : memref<64xi32, #tpu.memory_space<vmem>>) semaphore(%run_scoped3A : memref<!tpu.dma_semaphore, #tpu.memory_space<semaphore_mem>>) {add = true}
        %dma_wait3A_129 = arith.constant 0 : i32
        %dma_wait3A_130 = arith.constant 0 : i32
        %dma_wait3A_131 = tpu.memref_slice %arg16[%dma_wait3A_129, %dma_wait3A_130] : memref<10240x128xf32, #tpu.memory_space<vmem_shared>> -> memref<10240x128xf32, #tpu.memory_space<vmem_shared>>
        tpu.wait_indirect_dma semaphore(%run_scoped3A : memref<!tpu.dma_semaphore, #tpu.memory_space<semaphore_mem>>) src(%arg15 : memref<64x128xf32, #tpu.memory_space<vmem>>) dst(%dma_wait3A_131 : memref<10240x128xf32, #tpu.memory_space<vmem_shared>>)
        tpu.yield
      }) : () -> ()
      %add3A_119 = arith.constant 4 : i32
      %add3A_120 = arith.addi %add3A_108, %add3A_119 : i32
      %lt3A_121 = arith.constant 160 : i32
      %lt3A_122 = arith.cmpi slt, %add3A_120, %lt3A_121 : i32
      %convert_element_type3A_123 = arith.extui %lt3A_122 : i1 to i32
      %cond3A_124 = arith.constant 0 : i32
      %cond3A_125 = arith.cmpi ne, %convert_element_type3A_123, %cond3A_124 : i32
      scf.if %cond3A_125 {
        %add3A_126 = arith.constant 4 : i32
        %add3A_127 = arith.addi %add3A_108, %add3A_126 : i32
        %mul3A_128 = arith.constant 64 : i32
        %mul3A_129 = arith.muli %add3A_127, %mul3A_128 : i32
        %add3A_130 = arith.addi %mul3A_6, %mul3A_129 : i32
        %dma_start3A_131 = tpu.memref_slice %arg4[%add3A_130] : memref<327680xi32, #tpu.memory_space<hbm>> -> memref<64xi32, #tpu.memory_space<hbm>>
        %dma_start3A_132 = tpu.memref_slice %arg4[%add3A_130] : memref<327680xi32, #tpu.memory_space<hbm>> -> memref<64xi32, #tpu.memory_space<hbm>>
        tpu.enqueue_dma source(%dma_start3A_132 : memref<64xi32, #tpu.memory_space<hbm>>) target(%arg11 : memref<64xi32, #tpu.memory_space<vmem>>) target_semaphore(%arg24 : memref<!tpu.dma_semaphore, #tpu.memory_space<semaphore_mem>>)
        %mul3A_133 = arith.constant 64 : i32
        %mul3A_134 = arith.muli %add3A_127, %mul3A_133 : i32
        %dma_start3A_135 = tpu.memref_slice %arg7[%mul3A_134] : memref<10240xi32, #tpu.memory_space<vmem>> -> memref<64xi32, #tpu.memory_space<vmem>>
        %dma_start3A_136 = arith.constant 0 : i32
        %dma_start3A_137 = arith.constant 0 : i32
        %dma_start3A_138 = tpu.memref_slice %arg2[%dma_start3A_136, %dma_start3A_137] : memref<10000x128xf32, #tpu.memory_space<hbm>> -> memref<10000x128xf32, #tpu.memory_space<hbm>>
        tpu.enqueue_indirect_dma source(%dma_start3A_138 : memref<10000x128xf32, #tpu.memory_space<hbm>>) target(%arg15 : memref<64x128xf32, #tpu.memory_space<vmem>>) offsets(%dma_start3A_135 : memref<64xi32, #tpu.memory_space<vmem>>) semaphore(%arg20 : memref<!tpu.dma_semaphore, #tpu.memory_space<semaphore_mem>>)
      } else {
      }
    }
    %scan3A_45 = arith.constant 40 : i32
    %barrier3A_46 = arith.constant 0 : index
    tpu.barrier barrier_id(%barrier3A_46)
    "tpu.region"() ({
      %run_scoped3A = tpu.sem_alloc : memref<!tpu.dma_semaphore, #tpu.memory_space<semaphore_mem>>
      %dma_start3A_47 = arith.constant 0 : i32
      %dma_start3A_48 = tpu.memref_slice %arg6[%arg0, %mul3A_2, %dma_start3A_47] : memref<2x10240x128xf32, #tpu.memory_space<hbm>> -> memref<1x640x128xf32, #tpu.memory_space<hbm>>
      %dma_start3A_49 = tpu.memref_squeeze %dma_start3A_48 : memref<1x640x128xf32, #tpu.memory_space<hbm>> -> memref<640x128xf32, #tpu.memory_space<hbm>>
      %dma_start3A_50 = arith.constant 0 : i32
      %dma_start3A_51 = tpu.memref_slice %arg16[%mul3A_2, %dma_start3A_50] : memref<10240x128xf32, #tpu.memory_space<vmem_shared>> -> memref<640x128xf32, #tpu.memory_space<vmem_shared>>
      tpu.enqueue_dma source(%dma_start3A_51 : memref<640x128xf32, #tpu.memory_space<vmem_shared>>) target(%dma_start3A_49 : memref<640x128xf32, #tpu.memory_space<hbm>>) target_semaphore(%run_scoped3A : memref<!tpu.dma_semaphore, #tpu.memory_space<semaphore_mem>>)
      %dma_wait3A = arith.constant 0 : i32
      %dma_wait3A_52 = tpu.memref_slice %arg6[%arg0, %mul3A_2, %dma_wait3A] : memref<2x10240x128xf32, #tpu.memory_space<hbm>> -> memref<1x640x128xf32, #tpu.memory_space<hbm>>
      %dma_wait3A_53 = tpu.memref_squeeze %dma_wait3A_52 : memref<1x640x128xf32, #tpu.memory_space<hbm>> -> memref<640x128xf32, #tpu.memory_space<hbm>>
      %dma_wait3A_54 = arith.constant 0 : i32
      %dma_wait3A_55 = tpu.memref_slice %arg16[%mul3A_2, %dma_wait3A_54] : memref<10240x128xf32, #tpu.memory_space<vmem_shared>> -> memref<640x128xf32, #tpu.memory_space<vmem_shared>>
      tpu.wait_dma2 semaphore(%run_scoped3A : memref<!tpu.dma_semaphore, #tpu.memory_space<semaphore_mem>>) src(%dma_wait3A_55 : memref<640x128xf32, #tpu.memory_space<vmem_shared>>) dst(%dma_wait3A_53 : memref<640x128xf32, #tpu.memory_space<hbm>>)
      tpu.yield
    }) : () -> ()
    return
  }
}

module attributes {stable_mosaic.version = 14 : i64} {
  func.func @_tc_matmul_body(%arg0: i32, %arg1: memref<1000x128xf32, #tpu.memory_space<vmem>>, %arg2: memref<128x128xf32, #tpu.memory_space<vmem>>, %arg3: memref<1x128xf32, #tpu.memory_space<vmem>>, %arg4: memref<1000x128xf32, #tpu.memory_space<vmem>>) attributes {dimension_semantics = [#tpu.dimension_semantics<arbitrary>], iteration_bounds = array<i64: 10>, scalar_prefetch = 0 : i64, scratch_operands = 0 : i64, tpu.core_type = #tpu.core_type<tc>, window_params = [{transform_indices = @transform_0, window_bounds = array<i64: 1000, 128>}, {pipeline_mode = #tpu.pipeline_mode<synchronous>, transform_indices = @transform_1, window_bounds = array<i64: 128, 128>}, {pipeline_mode = #tpu.pipeline_mode<synchronous>, transform_indices = @transform_2, window_bounds = array<i64: 1, 128>}, {transform_indices = @transform_3, window_bounds = array<i64: 1000, 128>}]} {
    %get3A = arith.constant 0 : index
    %get3A_0 = arith.constant 0 : index
    %get3A_1 = vector.load %arg1[%get3A, %get3A_0] : memref<1000x128xf32, #tpu.memory_space<vmem>>, vector<1000x128xf32>
    %get3A_2 = arith.constant 0 : index
    %get3A_3 = arith.constant 0 : index
    %get3A_4 = vector.load %arg2[%get3A_2, %get3A_3] : memref<128x128xf32, #tpu.memory_space<vmem>>, vector<128x128xf32>
    %dot_general3A = arith.constant dense<0.000000e+00> : vector<1000x128xf32>
    %dot_general3A_5 = tpu.matmul %get3A_1, %get3A_4, %dot_general3A {dimension_numbers = #tpu.dot_dimension_numbers<[1], [1], [0], [0], [0, 0, 1, 0], [], []>, transpose_lhs_hint = false} : vector<1000x128xf32>, vector<128x128xf32>, vector<1000x128xf32> -> vector<1000x128xf32>
    %get3A_6 = arith.constant 0 : index
    %get3A_7 = arith.constant 0 : index
    %get3A_8 = vector.load %arg3[%get3A_6, %get3A_7] : memref<1x128xf32, #tpu.memory_space<vmem>>, vector<1x128xf32>
    %add3A = vector.broadcast %get3A_8 : vector<1x128xf32> to vector<1000x128xf32>
    %add3A_9 = arith.addf %dot_general3A_5, %add3A : vector<1000x128xf32>
    %swap3A = arith.constant 0 : index
    %swap3A_10 = arith.constant 0 : index
    %swap3A_11 = vector.load %arg4[%swap3A, %swap3A_10] : memref<1000x128xf32, #tpu.memory_space<vmem>>, vector<1000x128xf32>
    tpu.vector_store %arg4[%swap3A, %swap3A_10], %add3A_9 {strides = array<i32>} : memref<1000x128xf32, #tpu.memory_space<vmem>>, vector<1000x128xf32>,
    return
  }
  func.func @transform_0(%arg0: i32) -> (i32, i32) {
    %c0_i32 = arith.constant 0 : i32
    %c0_i32_0 = arith.constant 0 : i32
    return %arg0, %c0_i32 : i32, i32
  }
  func.func @transform_1(%arg0: i32) -> (i32, i32) {
    %c0_i32 = arith.constant 0 : i32
    %c0_i32_0 = arith.constant 0 : i32
    %c0_i32_1 = arith.constant 0 : i32
    return %c0_i32, %c0_i32_0 : i32, i32
  }
  func.func @transform_2(%arg0: i32) -> (i32, i32) {
    %c0_i32 = arith.constant 0 : i32
    %c0_i32_0 = arith.constant 0 : i32
    %c0_i32_1 = arith.constant 0 : i32
    return %c0_i32, %c0_i32_0 : i32, i32
  }
  func.func @transform_3(%arg0: i32) -> (i32, i32) {
    %c0_i32 = arith.constant 0 : i32
    %c0_i32_0 = arith.constant 0 : i32
    return %arg0, %c0_i32 : i32, i32
  }
}

module attributes {stable_mosaic.version = 14 : i64} {
  func.func @_tc_combine_body(%arg0: i32, %arg1: memref<1000x128xf32, #tpu.memory_space<vmem>>, %arg2: memref<1000x128xf32, #tpu.memory_space<vmem>>, %arg3: memref<1000x128xf32, #tpu.memory_space<vmem>>, %arg4: memref<1000x128xf32, #tpu.memory_space<vmem>>, %arg5: memref<1000x128xf32, #tpu.memory_space<vmem>>, %arg6: memref<128x128xf32, #tpu.memory_space<vmem>>, %arg7: memref<1000x128xf32, #tpu.memory_space<vmem>>) attributes {dimension_semantics = [#tpu.dimension_semantics<arbitrary>], iteration_bounds = array<i64: 10>, scalar_prefetch = 0 : i64, scratch_operands = 0 : i64, tpu.core_type = #tpu.core_type<tc>, window_params = [{transform_indices = @transform_0, window_bounds = array<i64: 1000, 128>}, {transform_indices = @transform_1, window_bounds = array<i64: 1000, 128>}, {transform_indices = @transform_2, window_bounds = array<i64: 1000, 128>}, {transform_indices = @transform_3, window_bounds = array<i64: 1000, 128>}, {transform_indices = @transform_4, window_bounds = array<i64: 1000, 128>}, {pipeline_mode = #tpu.pipeline_mode<synchronous>, transform_indices = @transform_5, window_bounds = array<i64: 128, 128>}, {transform_indices = @transform_6, window_bounds = array<i64: 1000, 128>}]} {
    %get3A = arith.constant 0 : index
    %get3A_0 = arith.constant 0 : index
    %get3A_1 = vector.load %arg3[%get3A, %get3A_0] : memref<1000x128xf32, #tpu.memory_space<vmem>>, vector<1000x1xf32>
    %get3A_2 = arith.constant 0 : index
    %get3A_3 = arith.constant 0 : index
    %get3A_4 = vector.load %arg4[%get3A_2, %get3A_3] : memref<1000x128xf32, #tpu.memory_space<vmem>>, vector<1000x1xf32>
    %add3A = arith.addf %get3A_1, %get3A_4 : vector<1000x1xf32>
    %max3A = arith.constant 1.000000e+00 : f32
    %max3A_5 = vector.broadcast %max3A : f32 to vector<1000x1xf32>
    %max3A_6 = arith.maximumf %add3A, %max3A_5 : vector<1000x1xf32>
    %div3A = arith.constant 1.000000e+00 : f32
    %div3A_7 = vector.broadcast %div3A : f32 to vector<1000x1xf32>
    %div3A_8 = arith.divf %div3A_7, %max3A_6 : vector<1000x1xf32>
    %get3A_9 = arith.constant 0 : index
    %get3A_10 = arith.constant 0 : index
    %get3A_11 = vector.load %arg1[%get3A_9, %get3A_10] : memref<1000x128xf32, #tpu.memory_space<vmem>>, vector<1000x128xf32>
    %get3A_12 = arith.constant 0 : index
    %get3A_13 = arith.constant 0 : index
    %get3A_14 = vector.load %arg2[%get3A_12, %get3A_13] : memref<1000x128xf32, #tpu.memory_space<vmem>>, vector<1000x128xf32>
    %add3A_15 = arith.addf %get3A_11, %get3A_14 : vector<1000x128xf32>
    %get3A_16 = arith.constant 0 : index
    %get3A_17 = arith.constant 0 : index
    %get3A_18 = vector.load %arg6[%get3A_16, %get3A_17] : memref<128x128xf32, #tpu.memory_space<vmem>>, vector<128x128xf32>
    %dot_general3A = arith.constant dense<0.000000e+00> : vector<1000x128xf32>
    %dot_general3A_19 = tpu.matmul %add3A_15, %get3A_18, %dot_general3A {dimension_numbers = #tpu.dot_dimension_numbers<[1], [1], [0], [0], [0, 0, 1, 0], [], []>, transpose_lhs_hint = false} : vector<1000x128xf32>, vector<128x128xf32>, vector<1000x128xf32> -> vector<1000x128xf32>
    %mul3A = vector.broadcast %div3A_8 : vector<1000x1xf32> to vector<1000x128xf32>
    %mul3A_20 = arith.mulf %mul3A, %dot_general3A_19 : vector<1000x128xf32>
    %get3A_21 = arith.constant 0 : index
    %get3A_22 = arith.constant 0 : index
    %get3A_23 = vector.load %arg5[%get3A_21, %get3A_22] : memref<1000x128xf32, #tpu.memory_space<vmem>>, vector<1000x128xf32>
    %add3A_24 = arith.addf %mul3A_20, %get3A_23 : vector<1000x128xf32>
    %max3A_25 = arith.constant 0.000000e+00 : f32
    %max3A_26 = vector.broadcast %max3A_25 : f32 to vector<1000x128xf32>
    %max3A_27 = arith.maximumf %add3A_24, %max3A_26 : vector<1000x128xf32>
    %swap3A = arith.constant 0 : index
    %swap3A_28 = arith.constant 0 : index
    %swap3A_29 = vector.load %arg7[%swap3A, %swap3A_28] : memref<1000x128xf32, #tpu.memory_space<vmem>>, vector<1000x128xf32>
    tpu.vector_store %arg7[%swap3A, %swap3A_28], %max3A_27 {strides = array<i32>} : memref<1000x128xf32, #tpu.memory_space<vmem>>, vector<1000x128xf32>,
    return
  }
  func.func @transform_0(%arg0: i32) -> (i32, i32) {
    %c0_i32 = arith.constant 0 : i32
    %c0_i32_0 = arith.constant 0 : i32
    return %arg0, %c0_i32 : i32, i32
  }
  func.func @transform_1(%arg0: i32) -> (i32, i32) {
    %c0_i32 = arith.constant 0 : i32
    %c0_i32_0 = arith.constant 0 : i32
    return %arg0, %c0_i32 : i32, i32
  }
  func.func @transform_2(%arg0: i32) -> (i32, i32) {
    %c0_i32 = arith.constant 0 : i32
    %c0_i32_0 = arith.constant 0 : i32
    return %arg0, %c0_i32 : i32, i32
  }
  func.func @transform_3(%arg0: i32) -> (i32, i32) {
    %c0_i32 = arith.constant 0 : i32
    %c0_i32_0 = arith.constant 0 : i32
    return %arg0, %c0_i32 : i32, i32
  }
  func.func @transform_4(%arg0: i32) -> (i32, i32) {
    %c0_i32 = arith.constant 0 : i32
    %c0_i32_0 = arith.constant 0 : i32
    return %arg0, %c0_i32 : i32, i32
  }
  func.func @transform_5(%arg0: i32) -> (i32, i32) {
    %c0_i32 = arith.constant 0 : i32
    %c0_i32_0 = arith.constant 0 : i32
    %c0_i32_1 = arith.constant 0 : i32
    return %c0_i32, %c0_i32_0 : i32, i32
  }
  func.func @transform_6(%arg0: i32) -> (i32, i32) {
    %c0_i32 = arith.constant 0 : i32
    %c0_i32_0 = arith.constant 0 : i32
    return %arg0, %c0_i32 : i32, i32
  }
}

module attributes {stable_mosaic.version = 14 : i64} {
  func.func @_tc_combine2_body(%arg0: i32, %arg1: memref<1000x128xf32, #tpu.memory_space<vmem>>, %arg2: memref<1000x128xf32, #tpu.memory_space<vmem>>, %arg3: memref<1000x128xf32, #tpu.memory_space<vmem>>, %arg4: memref<1000x128xf32, #tpu.memory_space<vmem>>, %arg5: memref<1000x128xf32, #tpu.memory_space<vmem>>, %arg6: memref<128x128xf32, #tpu.memory_space<vmem>>, %arg7: memref<12x128xf32, #tpu.memory_space<vmem>>, %arg8: memref<1x12xf32, #tpu.memory_space<vmem>>, %arg9: memref<1000x12xf32, #tpu.memory_space<vmem>>) attributes {dimension_semantics = [#tpu.dimension_semantics<arbitrary>], iteration_bounds = array<i64: 10>, scalar_prefetch = 0 : i64, scratch_operands = 0 : i64, tpu.core_type = #tpu.core_type<tc>, window_params = [{transform_indices = @transform_0, window_bounds = array<i64: 1000, 128>}, {transform_indices = @transform_1, window_bounds = array<i64: 1000, 128>}, {transform_indices = @transform_2, window_bounds = array<i64: 1000, 128>}, {transform_indices = @transform_3, window_bounds = array<i64: 1000, 128>}, {transform_indices = @transform_4, window_bounds = array<i64: 1000, 128>}, {pipeline_mode = #tpu.pipeline_mode<synchronous>, transform_indices = @transform_5, window_bounds = array<i64: 128, 128>}, {pipeline_mode = #tpu.pipeline_mode<synchronous>, transform_indices = @transform_6, window_bounds = array<i64: 12, 128>}, {pipeline_mode = #tpu.pipeline_mode<synchronous>, transform_indices = @transform_7, window_bounds = array<i64: 1, 12>}, {transform_indices = @transform_8, window_bounds = array<i64: 1000, 12>}]} {
    %get3A = arith.constant 0 : index
    %get3A_0 = arith.constant 0 : index
    %get3A_1 = vector.load %arg3[%get3A, %get3A_0] : memref<1000x128xf32, #tpu.memory_space<vmem>>, vector<1000x1xf32>
    %get3A_2 = arith.constant 0 : index
    %get3A_3 = arith.constant 0 : index
    %get3A_4 = vector.load %arg4[%get3A_2, %get3A_3] : memref<1000x128xf32, #tpu.memory_space<vmem>>, vector<1000x1xf32>
    %add3A = arith.addf %get3A_1, %get3A_4 : vector<1000x1xf32>
    %max3A = arith.constant 1.000000e+00 : f32
    %max3A_5 = vector.broadcast %max3A : f32 to vector<1000x1xf32>
    %max3A_6 = arith.maximumf %add3A, %max3A_5 : vector<1000x1xf32>
    %div3A = arith.constant 1.000000e+00 : f32
    %div3A_7 = vector.broadcast %div3A : f32 to vector<1000x1xf32>
    %div3A_8 = arith.divf %div3A_7, %max3A_6 : vector<1000x1xf32>
    %get3A_9 = arith.constant 0 : index
    %get3A_10 = arith.constant 0 : index
    %get3A_11 = vector.load %arg1[%get3A_9, %get3A_10] : memref<1000x128xf32, #tpu.memory_space<vmem>>, vector<1000x128xf32>
    %get3A_12 = arith.constant 0 : index
    %get3A_13 = arith.constant 0 : index
    %get3A_14 = vector.load %arg2[%get3A_12, %get3A_13] : memref<1000x128xf32, #tpu.memory_space<vmem>>, vector<1000x128xf32>
    %add3A_15 = arith.addf %get3A_11, %get3A_14 : vector<1000x128xf32>
    %get3A_16 = arith.constant 0 : index
    %get3A_17 = arith.constant 0 : index
    %get3A_18 = vector.load %arg6[%get3A_16, %get3A_17] : memref<128x128xf32, #tpu.memory_space<vmem>>, vector<128x128xf32>
    %dot_general3A = arith.constant dense<0.000000e+00> : vector<1000x128xf32>
    %dot_general3A_19 = tpu.matmul %add3A_15, %get3A_18, %dot_general3A {dimension_numbers = #tpu.dot_dimension_numbers<[1], [1], [0], [0], [0, 0, 1, 0], [], []>, transpose_lhs_hint = false} : vector<1000x128xf32>, vector<128x128xf32>, vector<1000x128xf32> -> vector<1000x128xf32>
    %mul3A = vector.broadcast %div3A_8 : vector<1000x1xf32> to vector<1000x128xf32>
    %mul3A_20 = arith.mulf %mul3A, %dot_general3A_19 : vector<1000x128xf32>
    %get3A_21 = arith.constant 0 : index
    %get3A_22 = arith.constant 0 : index
    %get3A_23 = vector.load %arg5[%get3A_21, %get3A_22] : memref<1000x128xf32, #tpu.memory_space<vmem>>, vector<1000x128xf32>
    %add3A_24 = arith.addf %mul3A_20, %get3A_23 : vector<1000x128xf32>
    %max3A_25 = arith.constant 0.000000e+00 : f32
    %max3A_26 = vector.broadcast %max3A_25 : f32 to vector<1000x128xf32>
    %max3A_27 = arith.maximumf %add3A_24, %max3A_26 : vector<1000x128xf32>
    %get3A_28 = arith.constant 0 : index
    %get3A_29 = arith.constant 0 : index
    %get3A_30 = vector.load %arg7[%get3A_28, %get3A_29] : memref<12x128xf32, #tpu.memory_space<vmem>>, vector<12x128xf32>
    %dot_general3A_31 = arith.constant dense<0.000000e+00> : vector<1000x12xf32>
    %dot_general3A_32 = tpu.matmul %max3A_27, %get3A_30, %dot_general3A_31 {dimension_numbers = #tpu.dot_dimension_numbers<[1], [1], [0], [0], [0, 0, 1, 0], [], []>, transpose_lhs_hint = false} : vector<1000x128xf32>, vector<12x128xf32>, vector<1000x12xf32> -> vector<1000x12xf32>
    %get3A_33 = arith.constant 0 : index
    %get3A_34 = arith.constant 0 : index
    %get3A_35 = vector.load %arg8[%get3A_33, %get3A_34] : memref<1x12xf32, #tpu.memory_space<vmem>>, vector<1x12xf32>
    %add3A_36 = vector.broadcast %get3A_35 : vector<1x12xf32> to vector<1000x12xf32>
    %add3A_37 = arith.addf %dot_general3A_32, %add3A_36 : vector<1000x12xf32>
    %swap3A = arith.constant 0 : index
    %swap3A_38 = arith.constant 0 : index
    %swap3A_39 = vector.load %arg9[%swap3A, %swap3A_38] : memref<1000x12xf32, #tpu.memory_space<vmem>>, vector<1000x12xf32>
    tpu.vector_store %arg9[%swap3A, %swap3A_38], %add3A_37 {strides = array<i32>} : memref<1000x12xf32, #tpu.memory_space<vmem>>, vector<1000x12xf32>,
    return
  }
  func.func @transform_0(%arg0: i32) -> (i32, i32) {
    %c0_i32 = arith.constant 0 : i32
    %c0_i32_0 = arith.constant 0 : i32
    return %arg0, %c0_i32 : i32, i32
  }
  func.func @transform_1(%arg0: i32) -> (i32, i32) {
    %c0_i32 = arith.constant 0 : i32
    %c0_i32_0 = arith.constant 0 : i32
    return %arg0, %c0_i32 : i32, i32
  }
  func.func @transform_2(%arg0: i32) -> (i32, i32) {
    %c0_i32 = arith.constant 0 : i32
    %c0_i32_0 = arith.constant 0 : i32
    return %arg0, %c0_i32 : i32, i32
  }
  func.func @transform_3(%arg0: i32) -> (i32, i32) {
    %c0_i32 = arith.constant 0 : i32
    %c0_i32_0 = arith.constant 0 : i32
    return %arg0, %c0_i32 : i32, i32
  }
  func.func @transform_4(%arg0: i32) -> (i32, i32) {
    %c0_i32 = arith.constant 0 : i32
    %c0_i32_0 = arith.constant 0 : i32
    return %arg0, %c0_i32 : i32, i32
  }
  func.func @transform_5(%arg0: i32) -> (i32, i32) {
    %c0_i32 = arith.constant 0 : i32
    %c0_i32_0 = arith.constant 0 : i32
    %c0_i32_1 = arith.constant 0 : i32
    return %c0_i32, %c0_i32_0 : i32, i32
  }
  func.func @transform_6(%arg0: i32) -> (i32, i32) {
    %c0_i32 = arith.constant 0 : i32
    %c0_i32_0 = arith.constant 0 : i32
    %c0_i32_1 = arith.constant 0 : i32
    return %c0_i32, %c0_i32_0 : i32, i32
  }
  func.func @transform_7(%arg0: i32) -> (i32, i32) {
    %c0_i32 = arith.constant 0 : i32
    %c0_i32_0 = arith.constant 0 : i32
    %c0_i32_1 = arith.constant 0 : i32
    return %c0_i32, %c0_i32_0 : i32, i32
  }
  func.func @transform_8(%arg0: i32) -> (i32, i32) {
    %c0_i32 = arith.constant 0 : i32
    %c0_i32_0 = arith.constant 0 : i32
    return %arg0, %c0_i32 : i32, i32
  }
}

</mosaic_0001>

<sc_bundles>
// kernel: kernel.12.cloned.1.call-start
scs
__scs_entry_jumppad:
0x0: {  	(pc) =	sbr.rel $0x88, $3  }
0x1: {  	(tag) =	ssettag $0x0;
	lr =	simm.s32 $0x1  }
0x2: {  	[smem:$0x3F97] =	sst lr;
	_ =	strace $0xD0000000  }
0x3: {  	_ = 	snop  }
0x4: {  	_ = 	snop  }
0x5: {  	_ = 	snop  }
0x6: {  	_ = 	snop  }
0x7: {  	_ = 	snop  }
__scs_overlays_trampoline_lowered:
0x8: {  	[smem:$0x3FA6] =	sst s0  }
0x9: {  	[smem:$0x3FA7] =	sst s1  }
0xa: {  	[smem:$0x3FA8] =	sst s2  }
0xb: {  	[smem:$0x3FA9] =	sst s3  }
0xc: {  	[smem:$0x3FAA] =	sst s4  }
0xd: {  	[smem:$0x3FAB] =	sst s5  }
0xe: {  	[smem:$0x3FAC] =	sst s6  }
0xf: {  	[smem:$0x3FAD] =	sst s7  }
0x10: {  	[smem:$0x3FAE] =	sst s8  }
0x11: {  	[smem:$0x3FAF] =	sst s9;
	s0 =	simm.s32 @!p0 $0x0  }
0x12: {  	s1 =	sld [smem:$0x3F95];
	s0 =	simm.s32 @p0 $0x1  }
0x13: {  	[smem:$0x3FB0] =	sst s0;
	s0 =	simm.s32 @!p1 $0x0  }
0x14: {  	s2 =	sld [smem:$0x3F94];
	s0 =	simm.s32 @p1 $0x1  }
0x15: {  	[smem:$0x3FB1] =	sst s0;
	s0 =	simm.s32 @!p2 $0x0  }
0x16: {  	s3 =	sld [smem:$0x3FDB];
	s0 =	simm.s32 @p2 $0x1  }
0x17: {  	s4 =	simm.s32 $0x1BF5;
	[smem:$0x3FB3] =	sst s0  }
0x18: {  	s0 =	sld [smem:$0x3F96];
	_ =	swait.ge [sflag:s4], $0x0  }
0x19: {  	s7 =	sld [smem:$0x3F97]  }
0x1a: {  	s8 =	sadd.s32 $0xFFFFE003, lr  }
0x1b: {  	s9 =	sadd.s32 $0xFFFFFEF7, lr;
	s5 =	simm.s32 $0xFFFFFFFF;
	p2 =	slt.u32 s8, $0xFFFFF086  }
0x1c: {  	p1 =	slt.u32 s9, $0xF7A;
	s5 =	simm.s32 @!p2 $0x0  }
0x1d: {  	s5 =	simm.s32 @p1 $0x1;
	p0 =	seq.s32 s7, s2  }
0x1e: {  	s7 =	smul.u32 @!p0 $0xF7A, s2;
	p2 =	seq.s32 @!p0 s5, $0x0  }
0x1f: {  	s9 =	smul.u32 $0xF7A, s1;
	s8 =	simm.s32 @!p0 $0x1BF5;
	p2 =	por !p2, p0  }
0x20: {  	[sflag:s8] =	ssyncset.s32 @!p0 $0xFFFFF086;
	s6 =	sadd.s32 @!p0 s3, s7;
	s7 =	simm.s32 @!p0 $0x108  }
0x21: {  	s3 =	sadd.s32 s3, s9;
	s6 =	sadd.s32 @!p0 $0x88, s6;
	s7 =	simm.s32 @p2 $0x1082  }
0x22: {  	[simem:s7], [sflag:s8] =	dma.local @!p0 [hbm:s6], $0xF7A  }
0x23: {  	s9 =	sor.u32 $0xD0000000, s2;
	s6 =	simm.s32 $0x108;
	_ =	swait.ge @!p0 [sflag:s8], $0x0  }
0x24: {  	s3 =	sadd.s32 $0x88, s3;
	s6 =	simm.s32 @!p1 $0x1082;
	[sflag:s4] =	ssyncset.s32 $0xFFFFF086  }
0x25: {  	[simem:s6], [sflag:s4] =	dma.local [hbm:s3], $0xF7A  }
0x26: {  	[smem:$0x3F97] =	sst s1;
	(tag) =	ssettag s2;
	_ =	strace s9  }
0x27: {  	s1 =	sld [smem:$0x3FA7]  }
0x28: {  	s2 =	sld [smem:$0x3FA8]  }
0x29: {  	s4 =	sld [smem:$0x3FAA]  }
0x2a: {  	p0 =	seq.s32 s5, $0x0;
	s5 =	sld [smem:$0x3FAB]  }
0x2b: {  	s6 =	sld [smem:$0x3FAC]  }
0x2c: {  	s7 =	sld [smem:$0x3FAD]  }
0x2d: {  	s3 =	simm.s32 $0x108;
	s8 =	sld [smem:$0x3FAE]  }
0x2e: {  	s3 =	simm.s32 @!p0 $0x1082;
	s9 =	sld [smem:$0x3FAF]  }
0x2f: {  	lr =	sadd.s32 s0, s3;
	s0 =	sld [smem:$0x3FA6]  }
0x30: {  	s3 =	sld [smem:$0x3FA9]  }
0x31: {  	[smem:$0x3FB2] =	sst s10  }
0x32: {  	s10 =	sld [smem:$0x3FB0];
	_ =	sdelay $0x3  }
0x33: {  	p0 =	seq.s32 s10, $0x1;
	s10 =	sld [smem:$0x3FB2];
	_ =	sdelay $0x3  }
0x34: {  	[smem:$0x3FB2] =	sst s10  }
0x35: {  	s10 =	sld [smem:$0x3FB1];
	_ =	sdelay $0x3  }
0x36: {  	p1 =	seq.s32 s10, $0x1;
	s10 =	sld [smem:$0x3FB2];
	_ =	sdelay $0x3  }
0x37: {  	[smem:$0x3FB2] =	sst s10  }
0x38: {  	s10 =	sld [smem:$0x3FB3]  }
0x39: {  	_ = 	snop;
	(pc) =	sbr.ind lr, $3  }
0x3a: {  	_ = 	snop  }
0x3b: {  	_ = 	snop  }
0x3c: {  	p2 =	seq.s32 s10, $0x1;
	s10 =	sld [smem:$0x3FB2]  }
0x3d: {  	_ =	shalt  }
0x3e: {  	_ =	shalt  }
0x3f: {  	_ =	shalt  }
0x40: {  	_ =	shalt  }
0x41: {  	_ =	shalt  }
0x42: {  	_ =	shalt  }
0x43: {  	_ =	shalt  }
0x44: {  	_ =	shalt  }
0x45: {  	_ =	shalt  }
0x46: {  	_ =	shalt  }
0x47: {  	_ =	shalt  }
0x48: {  	_ =	shalt  }
0x49: {  	_ =	shalt  }
0x4a: {  	_ =	shalt  }
0x4b: {  	_ =	shalt  }
0x4c: {  	_ =	shalt  }
0x4d: {  	_ =	shalt  }
0x4e: {  	_ =	shalt  }
0x4f: {  	_ =	shalt  }
0x50: {  	_ =	shalt  }
0x51: {  	_ =	shalt  }
0x52: {  	_ =	shalt  }
0x53: {  	_ =	shalt  }
0x54: {  	_ =	shalt  }
0x55: {  	_ =	shalt  }
0x56: {  	_ =	shalt  }
0x57: {  	_ =	shalt  }
0x58: {  	_ =	shalt  }
0x59: {  	_ =	shalt  }
0x5a: {  	_ =	shalt  }
0x5b: {  	_ =	shalt  }
0x5c: {  	_ =	shalt  }
0x5d: {  	_ =	shalt  }
0x5e: {  	_ =	shalt  }
0x5f: {  	_ =	shalt  }
0x60: {  	_ =	shalt  }
0x61: {  	_ =	shalt  }
0x62: {  	_ =	shalt  }
0x63: {  	_ =	shalt  }
0x64: {  	_ =	shalt  }
0x65: {  	_ =	shalt  }
0x66: {  	_ =	shalt  }
0x67: {  	_ =	shalt  }
0x68: {  	_ =	shalt  }
0x69: {  	_ =	shalt  }
0x6a: {  	_ =	shalt  }
0x6b: {  	_ =	shalt  }
0x6c: {  	_ =	shalt  }
0x6d: {  	_ =	shalt  }
0x6e: {  	_ =	shalt  }
0x6f: {  	_ =	shalt  }
0x70: {  	_ =	shalt  }
0x71: {  	_ =	shalt  }
0x72: {  	_ =	shalt  }
0x73: {  	_ =	shalt  }
0x74: {  	_ =	shalt  }
0x75: {  	_ =	shalt  }
0x76: {  	_ =	shalt  }
0x77: {  	_ =	shalt  }
0x78: {  	_ =	shalt  }
0x79: {  	_ =	shalt  }
0x7a: {  	_ =	shalt  }
0x7b: {  	_ =	shalt  }
0x7c: {  	_ =	shalt  }
0x7d: {  	_ =	shalt  }
0x7e: {  	_ =	shalt  }
0x7f: {  	_ =	shalt  }
0x80: {  	_ =	shalt  }
0x81: {  	_ =	shalt  }
0x82: {  	_ =	shalt  }
0x83: {  	_ =	shalt  }
0x84: {  	_ =	shalt  }
0x85: {  	_ =	shalt  }
0x86: {  	_ =	shalt  }
0x87: {  	_ =	shalt  }
.Lfunc_end0:
.L_simem_size_0:
called_computation.1_lowered:
.L_overlay_start_0:
0x88: {  	s2 =	sld [smem:$0x3FD9]  }
0x89: {  	s3 =	sld [smem:$0x3FFE];
	_ =	sdelay $0x1  }
0x8a: {  	s1 =	srdreg.scid  }
0x8b: {  	s0 =	sand.u32 $0x1, s1  }
0x8c: {  	s17 =	sshll.u32 s0, $0xA;
	s2 =	sadd.s32 s3, s2  }
0x8d: {  	s2 =	sadd.s32 s2, s17  }
0x8e: {  	[smem:$0x3FBE] =	sst s2  }
0x8f: {  	_ = 	snop  }
0x90: {  	s2 =	sld [smem:$0x3FC9]  }
0x91: {  	s18 =	sld [smem:$0x3FD0];
	(tm) =	ssettm $0x1  }
0x92: {  	s4 =	sld [smem:$0x3FFB];
	_ =	sdelay $0x3  }
0x93: {  	_ =	strace s4  }
0x94: {  	s4 =	sld [smem:$0x3FFC];
	_ =	sdelay $0x3  }
0x95: {  	_ =	strace s4  }
0x96: {  	s4 =	sld [smem:$0x3FFD];
	_ =	sdelay $0x3  }
0x97: {  	_ =	strace s4  }
0x98: {  	_ =	strace $0x8FFFFFFF  }
0x99: {  	s19 =	sld [smem:$0x3FDB];
	_ =	sdelay $0x1  }
0x9a: {  	s5 =	simm.s32 $_scs_section_size  }
0x9b: {  	s6 =	simm.s32 $_size__tile_overlayer_lowered;
	s7 =	simm.s32 $_tile_overlayer_lowered  }
0x9c: {  	s22 =	simm.s32 $0x1BFF;
	s21 =	sshll.u32 s7, $0x1;
	s4 =	sadd.s32 s5, s19  }
0x9d: {  	s8 =	simm.s32 $0x0;
	s20 =	sshll.u32 s6, $0x1;
	s6 =	sadd.s32 s21, s4  }
0x9e: {  	[timem:s8], [sflag:s22] =	dma.local [hbm:s6], s20  }
0x9f: {  	_ =	swait.ge [sflag:s22], s20  }
0xa0: {  	s5 =	ssub.s32 $0x0, s20;
	[sflag:s22] =	ssyncset.done $0x0  }
0xa1: {  	[sflag:s22] =	ssyncadd.s32 s5;
	_ =	sdelay $0x1  }
0xa2: {  	s23 =	simm.s32 $0x1B8B  }
0xa3: {  	_ =	swait.ge [sflag:s23], $0x1  }
0xa4: {  	[sflag:s23] =	ssyncset.done $0x0  }
0xa5: {  	s25 =	simm.s32 $0x1B8E;
	s24 =	sld [smem:$0x3FFE];
	[sflag:s23] =	ssyncadd.s32 $0xFFFFFFFF  }
0xa6: {  	s26 =	simm.s32 $execute0_lowered;
	[smem:$0x3FD2] =	sst s25  }
0xa7: {  	s6 =	sshll.u32 s26, $0x1;
	_ =	strace $0x80000046;
	[dreg:$0x1] =	wrdreg $0xFFFFFFFF  }
0xa8: {  	s28 =	simm.s32 $_size_execute0_lowered;
	s4 =	sadd.s32 s4, s6;
	[dreg:$0x0] =	wrdreg $0x0  }
0xa9: {  	s6 =	sshll.u32 s28, $0x1;
	[dreg:$0x2] =	wrdreg s4  }
0xaa: {  	[dreg:$0x3] =	wrdreg s6  }
0xab: {  	[dreg:$0x4] =	wrdreg $0xC0  }
0xac: {  	_ =	task [dreg:s8], $0x5FFFF  }
0xad: {  	[dreg:$0x1] =	wrdreg $0xFFFFFFFF  }
0xae: {  	[dreg:$0x0] =	wrdreg $0x60  }
0xaf: {  	[dreg:$0x2] =	wrdreg s2  }
0xb0: {  	[dreg:$0x3] =	wrdreg s24  }
0xb1: {  	[dreg:$0x4] =	wrdreg s18  }
0xb2: {  	[dreg:$0x5] =	wrdreg $0xAA000  }
0xb3: {  	[dreg:$0x6] =	wrdreg $0xA  }
0xb4: {  	_ =	task.clear_ibuf [dreg:s8], $0x7FFFF;
	_ =	strace $0x90000046  }
0xb5: {  	s29 =	simm.s32 $0xA;
	_ =	strace $0x80000048  }
0xb6: {  	_ =	swait.ge [sflag:s29], $0x1  }
0xb7: {  	[sflag:s29] =	ssyncadd.s32 $0xFFFFFFFF  }
0xb8: {  	_ =	strace $0x90000048  }
0xb9: {  	_ =	sfence  }
0xba: {  	s30 =	sld [smem:$0x0];
	_ =	sdelay $0x2  }
0xbb: {  	s31 =	sshll.u32 s1, $0xD;
	s1 =	sshrl.u32 s1, $0x2  }
0xbc: {  	s3 =	sand.u32 $0x4000, s31;
	s1 =	sadd.s32 s1, s30  }
0xbd: {  	s0 =	sor.u32 s3, s0;
	s1 =	sshll.u32 s1, $0x11  }
0xbe: {  	s0 =	sor.u32 s1, s0  }
0xbf: {  	s0 =	sadd.s32 $0x8F2B, s0  }
0xc0: {  	[sflag:s0] =	ssyncadd.remote.s32 $0x1  }
0xc1: {  	_ =	sfence.sel $0xFFFF  }
0xc2: {  	[dreg:$0x0] =	wrdreg $0xFFFFFFFF;
	(pc) =	sbr.abs _section_cstart, $3  }
0xc3: {  	[dreg:$0x1] =	wrdreg $0xFFFFFFFF  }
0xc4: {  	_ =	task.clear_ibuf [dreg:s8], $0x2FFFF;
	_ =	strace $0x9FFFFFFF  }
0xc5: {  	(tm) =	ssettm $0x7FFFFFFF  }
tec
execute0_lowered:
.L_overlay_start_1:
0x0: {  	(tag) =	ssettag $0x1  }
0x1: {  	s1 =	rddreg [dreg:$0x0]  }
0x2: {  	s0 =	srdreg.scid;
	s2 =	rddreg [dreg:$0x1]  }
0x3: {  	s12 =	stileid.u32;
	s4 =	rddreg [dreg:$0x3];
	s5 =	simm.s32 $0x0  }
0x4: {  	s28 =	simm.s32 $0x6A00;
	s29 =	simm.s32 $0x2980;
	s7 =	smul.u32 $0x14000, s12  }
0x5: {  	s31 =	simm.s32 $0x8A00;
	s30 =	simm.s32 $0x0;
	s16 =	smul.u32 $0x50000, s12  }
0x6: {  	s0 =	sand.u32 $0x1, s0;
	s3 =	sshll.u32 s12, $0x1;
	s10 =	smul.u32 $0x5000, s12  }
0x7: {  	[smem:$0x7FF] =	sst s5;
	s11 =	sadd.s32 $0xC800, s2;
	s6 =	smul.u32 $0x140000, s0  }
0x8: {  	s3 =	sor.u32 s0, s3;
	s9 =	ssub.s32 $0x2, s0;
	s0 =	smul.u32 $0x2800, s0  }
0x9: {  	s26 =	sshll.u32 s12, $0x6;
	_ =	strace $0x80000047;
	s3 =	smul.u32 $0x2800, s3  }
0xa: {  	s17 =	sshrl.u32 s9, $0x1;
	s6 =	sadd.s32 s7, s6;
	s7 =	sshrl.u32 s16, $0x2  }
0xb: {  	s0 =	sadd.s32 s0, s10;
	s3 =	sshrl.u32 s3, $0x3;
	s6 =	sshrl.u32 s6, $0x3  }
0xc: {  	s13 =	sadd.s32 s7, s4;
	s20 =	sor.u32 $0x100, s0;
	s23 =	sor.u32 $0x140, s0  }
0xd: {  	s24 =	sor.u32 $0x180, s0;
	s0 =	sor.u32 $0x1C0, s0;
	s8 =	sadd.s32 s3, s2  }
0xe: {  	s2 =	sadd.s32 s6, s2;
	s6 =	ssub.s32 s9, s17;
	s18 =	sadd.s32 s11, s3  }
0xf: {  	s21 =	sshrl.u32 s20, $0x3;
	s8 =	sadd.s32 $0x2800, s8;
	[dreg:$0x6] =	wrdreg s18  }
0x10: {  	s25 =	sshrl.u32 s24, $0x3;
	s3 =	sadd.s32 $0x8, s18;
	[dreg:$0x5] =	wrdreg s8  }
0x11: {  	s0 =	sshrl.u32 s0, $0x3;
	s19 =	sadd.s32 $0x10, s18;
	[dreg:$0x7] =	wrdreg s3  }
0x12: {  	s17 =	simm.s32 $0x9;
	s7 =	sadd.s32 $0x18, s18;
	[dreg:$0x8] =	wrdreg s19  }
0x13: {  	s20 =	simm.s32 $0x2800;
	s2 =	sadd.s32 $0x16800, s2;
	[dreg:$0x9] =	wrdreg s7  }
0x14: {  	s24 =	simm.s32 $0x8;
	s22 =	smax.u32 s6, $0x1;
	[dreg:$0xa] =	wrdreg s2  }
0x15: {  	s0 =	sadd.s32 s0, s11;
	s18 =	sor.u32 $0x1C09, s26;
	[dreg:$0xb] =	wrdreg s22  }
0x16: {  	s26 =	simm.s32 $0x4;
	s2 =	sadd.s32 s21, s11;
	[dreg:$0xf] =	wrdreg s0  }
.Ltmp0:
0x17: {  	s19 =	sshrl.u32 s13, $0x3;
	s21 =	simm.s32 $0x40;
	(pc) =	sbr.rel .LBB2_1-.Ltmp0, $4  }
0x18: {  	s22 =	simm.s32 $0x2A00;
	[dreg:$0xc] =	wrdreg s2;
	s2 =	sshrl.u32 s23, $0x3  }
0x19: {  	s0 =	simm.s32 $0x1;
	s3 =	simm.s32 $0x7;
	s2 =	sadd.s32 s2, s11  }
0x1a: {  	s23 =	simm.s32 $0x3;
	[dreg:$0xd] =	wrdreg s2;
	s2 =	sadd.s32 s25, s11  }
0x1b: {  	s25 =	simm.s32 $0x2900;
	[dreg:$0xe] =	wrdreg s2;
	s2 =	simm.s32 $0x5  }
.LBB2_4:
0x1c: {  	_ =	swait.ge [sflag:s24], $0x40  }
0x1d: {  	[sflag:s24] =	ssyncset.done $0x0  }
0x1e: {  	[sflag:s24] =	ssyncadd.s32 $0xFFFFFFC0  }
0x1f: {  	_ =	swait.ge [sflag:s26], $0x2000  }
0x20: {  	[sflag:s26] =	ssyncset.done $0x0  }
0x21: {  	[sflag:s26] =	ssyncadd.s32 $0xFFFFE000  }
0x22: {  	[spmem:s4] =	stream.indirect.scatter.add.f32 [tilespmem:s31], [sflag:$0x9], $0x80, s29, s21, $0xb8;
	[tilespmem:$0x1EA00] =	vst v63  }
0x23: {  	_ =	swait.ge [sflag:s17], $0x2000  }
0x24: {  	[sflag:s17] =	ssyncset.done $0x0  }
0x25: {  	[sflag:s17] =	ssyncadd.s32 $0xFFFFE000  }
0x26: {  	[bflag:$0x0] =	sbarrier.arrive $0xFFFF  }
0x27: {  	s6 =	rddreg [dreg:$0xa]  }
0x28: {  	[hbm:s6], [sflag:s18] =	dma.local [spmem:s19], $0x2800  }
0x29: {  	_ =	swait.ge [sflag:s17], $0x2800  }
0x2a: {  	s30 =	sadd.s32 $0x1, s30;
	s16 =	rddreg [dreg:$0xb]  }
0x2b: {  	p0 =	sne.s32 s30, s16  }
.Ltmp1:
0x2c: {  	_ = 	snop;
	(pc) =	sbr.rel @!p0 .LBB2_5-.Ltmp1, $3  }
0x2d: {  	_ =	sdelay $0x1  }
0x2e: {  	[sflag:s17] =	ssyncset.done $0x0  }
0x2f: {  	[sflag:s17] =	ssyncadd.s32 $0xFFFFD800  }
.LBB2_1:
0x30: {  	s6 =	rddreg [dreg:$0x5]  }
0x31: {  	[tilespmem:s5], [sflag:$0x9] =	stream.linear.gather [hbm4b:s6+s5], $0x2800, $0x38;
	[tilespmem:$0x1EA00] =	vst v63  }
0x32: {  	_ =	swait.ge [sflag:s17], $0x2800  }
0x33: {  	[sflag:s17] =	ssyncset.done $0x0  }
0x34: {  	[sflag:s17] =	ssyncadd.s32 $0xFFFFD800  }
0x35: {  	s9 =	rddreg [dreg:$0x2]  }
0x36: {  	[spmem:s19], [sflag:s18] =	dma.local [hbm:s9], $0x2800  }
0x37: {  	_ =	swait.ge [sflag:s17], $0x2800  }
0x38: {  	[sflag:s17] =	ssyncset.done $0x0  }
0x39: {  	s10 =	rddreg [dreg:$0x6];
	[sflag:s17] =	ssyncadd.s32 $0xFFFFD800  }
0x3a: {  	[tilespmem:s20], [sflag:$0x5] =	stream.linear.gather [hbm4b:s10+s5], $0x40, $0x38;
	[tilespmem:$0x1EA00] =	vst v63  }
0x3b: {  	_ = 	snop  }
0x3c: {  	[tilespmem:s22], [sflag:$0x1] =	stream.indirect.gather [hbm4b:s1+s21], $0x80, s5, s21, $0xb8;
	[tilespmem:$0x1EA00] =	vst v63  }
0x3d: {  	s7 =	simm.s32 $0x2880;
	s11 =	rddreg [dreg:$0x7]  }
0x3e: {  	[tilespmem:s7], [sflag:$0x6] =	stream.linear.gather [hbm4b:s11+s5], $0x40, $0x38;
	[tilespmem:$0x1EA00] =	vst v63  }
0x3f: {  	s12 =	simm.s32 $0x4A00  }
0x40: {  	[tilespmem:s12], [sflag:$0x2] =	stream.indirect.gather [hbm4b:s1+s21], $0x80, s21, s21, $0xb8;
	[tilespmem:$0x1EA00] =	vst v63  }
0x41: {  	s13 =	rddreg [dreg:$0x8]  }
0x42: {  	[tilespmem:s25], [sflag:$0x7] =	stream.linear.gather [hbm4b:s13+s5], $0x40, $0x38;
	[tilespmem:$0x1EA00] =	vst v63  }
0x43: {  	s14 =	simm.s32 $0x80  }
0x44: {  	[tilespmem:s28], [sflag:$0x3] =	stream.indirect.gather [hbm4b:s1+s21], $0x80, s14, s21, $0xb8;
	[tilespmem:$0x1EA00] =	vst v63  }
0x45: {  	s15 =	rddreg [dreg:$0x9]  }
0x46: {  	[tilespmem:s29], [sflag:$0x8] =	stream.linear.gather [hbm4b:s15+s5], $0x40, $0x38;
	[tilespmem:$0x1EA00] =	vst v63  }
0x47: {  	s16 =	simm.s32 $0xC0  }
0x48: {  	[tilespmem:s31], [sflag:$0x4] =	stream.indirect.gather [hbm4b:s1+s21], $0x80, s16, s21, $0xb8;
	[tilespmem:$0x1EA00] =	vst v63  }
0x49: {  	[bflag:$0x0] =	sbarrier.arrive $0xFFFF  }
0x4a: {  	s16 =	rddreg [dreg:$0xf]  }
0x4b: {  	s15 =	rddreg [dreg:$0xe]  }
0x4c: {  	s14 =	rddreg [dreg:$0xd]  }
0x4d: {  	s11 =	simm.s32 $0x0;
	s13 =	rddreg [dreg:$0xc]  }
.LBB2_2:
0x4e: {  	_ =	swait.ge [sflag:s2], $0x40  }
0x4f: {  	[sflag:s2] =	ssyncset.done $0x0  }
0x50: {  	[sflag:s2] =	ssyncadd.s32 $0xFFFFFFC0  }
0x51: {  	_ =	swait.ge [sflag:s0], $0x2000  }
0x52: {  	[sflag:s0] =	ssyncset.done $0x0  }
0x53: {  	[sflag:s0] =	ssyncadd.s32 $0xFFFFE000  }
0x54: {  	[spmem:s4] =	stream.indirect.scatter.add.f32 [tilespmem:s22], [sflag:$0x9], $0x80, s20, s21, $0xb8;
	[tilespmem:$0x1EA00] =	vst v63  }
0x55: {  	_ =	swait.ge [sflag:s17], $0x2000  }
0x56: {  	p0 =	seq.s32 s11, $0x9C00;
	[sflag:s17] =	ssyncset.done $0x0  }
0x57: {  	s12 =	simm.s32 @p0 $0x6;
	[sflag:s17] =	ssyncadd.s32 $0xFFFFE000  }
0x58: {  	_ =	swait.ge @p0 [sflag:s12], $0x40  }
0x59: {  	[sflag:s12] =	ssyncset.done @p0 $0x0  }
0x5a: {  	[sflag:s12] =	ssyncadd.s32 @p0 $0xFFFFFFC0;
	s12 =	simm.s32 @p0 $0x2  }
0x5b: {  	_ =	swait.ge @p0 [sflag:s12], $0x2000  }
0x5c: {  	s10 =	simm.s32 @p0 $0x2880;
	[sflag:s12] =	ssyncset.done @p0 $0x0  }
0x5d: {  	s9 =	simm.s32 @p0 $0x4A00;
	[sflag:s12] =	ssyncadd.s32 @p0 $0xFFFFE000;
	s12 =	simm.s32 @p0 $0x40  }
0x5e: {  	[spmem:s4] =	stream.indirect.scatter.add.f32 @p0 [tilespmem:s9], [sflag:$0x9], $0x80, s10, s12, $0xb8;
	[tilespmem:$0x1EA00] =	vst v63  }
0x5f: {  	s9 =	simm.s32 @p0 $0x9  }
0x60: {  	_ =	swait.ge @p0 [sflag:s9], $0x2000  }
0x61: {  	[sflag:s9] =	ssyncset.done @p0 $0x0  }
0x62: {  	s10 =	simm.s32 @!p0 $0x2800;
	[sflag:s9] =	ssyncadd.s32 @p0 $0xFFFFE000;
	s9 =	simm.s32 @!p0 $0x0  }
0x63: {  	[tilespmem:s10], [sflag:$0x5] =	stream.linear.gather @!p0 [hbm4b:s13+s9], $0x40, $0x38;
	[tilespmem:$0x1EA00] =	vst v63  }
0x64: {  	s10 =	sshra.s32 @!p0 s11, $0x2  }
0x65: {  	s7 =	simm.s32 @!p0 $0x40;
	s8 =	simm.s32 @!p0 $0x2A00;
	s12 =	sadd.s32 @!p0 $0x100, s10  }
0x66: {  	[tilespmem:s8], [sflag:$0x1] =	stream.indirect.gather @!p0 [hbm4b:s1+s7], $0x80, s12, s7, $0xb8;
	[tilespmem:$0x1EA00] =	vst v63  }
0x67: {  	s8 =	simm.s32 @!p0 $0x6  }
0x68: {  	_ =	swait.ge @!p0 [sflag:s8], $0x40  }
0x69: {  	[sflag:s8] =	ssyncset.done @!p0 $0x0  }
0x6a: {  	[sflag:s8] =	ssyncadd.s32 @!p0 $0xFFFFFFC0;
	s8 =	simm.s32 @!p0 $0x2  }
0x6b: {  	_ =	swait.ge @!p0 [sflag:s8], $0x2000  }
0x6c: {  	s6 =	simm.s32 @!p0 $0x9;
	[sflag:s8] =	ssyncset.done @!p0 $0x0  }
0x6d: {  	s12 =	simm.s32 @!p0 $0x4A00;
	[sflag:s8] =	ssyncadd.s32 @!p0 $0xFFFFE000;
	s8 =	simm.s32 @!p0 $0x2880  }
0x6e: {  	[spmem:s4] =	stream.indirect.scatter.add.f32 @!p0 [tilespmem:s12], [sflag:$0x9], $0x80, s8, s7, $0xb8;
	[tilespmem:$0x1EA00] =	vst v63  }
0x6f: {  	_ =	swait.ge @!p0 [sflag:s6], $0x2000  }
0x70: {  	[sflag:s6] =	ssyncset.done @!p0 $0x0  }
0x71: {  	[sflag:s6] =	ssyncadd.s32 @!p0 $0xFFFFE000  }
0x72: {  	[tilespmem:s8], [sflag:$0x6] =	stream.linear.gather @!p0 [hbm4b:s14+s9], $0x40, $0x38;
	[tilespmem:$0x1EA00] =	vst v63  }
0x73: {  	s6 =	sadd.s32 @!p0 $0x140, s10  }
0x74: {  	[tilespmem:s12], [sflag:$0x2] =	stream.indirect.gather @!p0 [hbm4b:s1+s7], $0x80, s6, s7, $0xb8;
	[tilespmem:$0x1EA00] =	vst v63  }
0x75: {  	_ =	swait.ge [sflag:s3], $0x40  }
0x76: {  	[sflag:s3] =	ssyncset.done $0x0  }
0x77: {  	[sflag:s3] =	ssyncadd.s32 $0xFFFFFFC0  }
0x78: {  	_ =	swait.ge [sflag:s23], $0x2000  }
0x79: {  	[sflag:s23] =	ssyncset.done $0x0  }
.Ltmp2:
0x7a: {  	[sflag:s23] =	ssyncadd.s32 $0xFFFFE000;
	(pc) =	sbr.rel @p0 .LBB2_4-.Ltmp2, $4  }
0x7b: {  	[spmem:s4] =	stream.indirect.scatter.add.f32 [tilespmem:s28], [sflag:$0x9], $0x80, s25, s21, $0xb8;
	[tilespmem:$0x1EA00] =	vst v63  }
0x7c: {  	_ =	swait.ge [sflag:s17], $0x2000  }
0x7d: {  	[sflag:s17] =	ssyncset.done $0x0  }
0x7e: {  	[sflag:s17] =	ssyncadd.s32 $0xFFFFE000  }
0x7f: {  	[tilespmem:s25], [sflag:$0x7] =	stream.linear.gather [hbm4b:s15+s5], $0x40, $0x38;
	[tilespmem:$0x1EA00] =	vst v63  }
0x80: {  	s6 =	sshra.s32 s11, $0x2  }
0x81: {  	s7 =	sadd.s32 $0x180, s6  }
0x82: {  	[tilespmem:s28], [sflag:$0x3] =	stream.indirect.gather [hbm4b:s1+s21], $0x80, s7, s21, $0xb8;
	[tilespmem:$0x1EA00] =	vst v63  }
0x83: {  	_ =	swait.ge [sflag:s24], $0x40  }
0x84: {  	[sflag:s24] =	ssyncset.done $0x0  }
0x85: {  	[sflag:s24] =	ssyncadd.s32 $0xFFFFFFC0  }
0x86: {  	_ =	swait.ge [sflag:s26], $0x2000  }
0x87: {  	[sflag:s26] =	ssyncset.done $0x0  }
0x88: {  	[sflag:s26] =	ssyncadd.s32 $0xFFFFE000  }
0x89: {  	[spmem:s4] =	stream.indirect.scatter.add.f32 [tilespmem:s31], [sflag:$0x9], $0x80, s29, s21, $0xb8;
	[tilespmem:$0x1EA00] =	vst v63  }
0x8a: {  	_ =	swait.ge [sflag:s17], $0x2000  }
.Ltmp3:
0x8b: {  	s11 =	sadd.s32 $0x400, s11;
	[sflag:s17] =	ssyncset.done $0x0;
	(pc) =	sbr.rel .LBB2_2-.Ltmp3, $4  }
0x8c: {  	s13 =	sadd.s32 $0x20, s13;
	s14 =	sadd.s32 $0x20, s14;
	[sflag:s17] =	ssyncadd.s32 $0xFFFFE000  }
0x8d: {  	[tilespmem:s29], [sflag:$0x8] =	stream.linear.gather [hbm4b:s16+s5], $0x40, $0x38;
	[tilespmem:$0x1EA00] =	vst v63  }
0x8e: {  	s15 =	sadd.s32 $0x20, s15;
	s6 =	sadd.s32 $0x1C0, s6;
	s16 =	sadd.s32 $0x20, s16  }
0x8f: {  	[tilespmem:s31], [sflag:$0x4] =	stream.indirect.gather [hbm4b:s1+s21], $0x80, s6, s21, $0xb8;
	[tilespmem:$0x1EA00] =	vst v63  }
.LBB2_5:
0x90: {  	_ =	sfence.sel $0x180000  }
0x91: {  	[bflag:$0x0] =	sbarrier.arrive $0xFFFF  }
0x92: {  	_ =	strace $0x90000047  }
0x93: {  	s0 =	stileid.u32;
	[bflag:$0x2] =	sbarrier.arrive $0xFFFF  }
0x94: {  	p0 =	sne.s32 s0, $0x0;
	s0 =	rddreg [dreg:$0x4]  }
0x95: {  	s0 =	sadd.s32 @!p0 $0x100000, s0  }
0x96: {  	[sflag:s0] =	ssyncadd.tile.s32 @!p0 $0x1;
	_ =	shalt  }
.Lfunc_end2:
_tile_overlayer_lowered:
.L_overlay_start_2:
0x97: {  	(tag) =	ssettag $0x2  }
0x98: {  	s0 =	rddreg [dreg:$0x0];
	s2 =	stileid.u32  }
0x99: {  	s1 =	rddreg [dreg:$0x1];
	p0 =	sne.s32 s2, $0x0  }
0x9a: {  	s3 =	rddreg [dreg:$0x2];
	[bflag:$0x3] =	sbarrier.arrive $0xFFFF;
	s2 =	simm.s32 @!p0 $0x1C09  }
0x9b: {  	[timem:s3], [sflag:s2] =	dma.local @!p0 [hbm:s0], s1  }
0x9c: {  	s0 =	simm.s32 @!p0 $0x9  }
0x9d: {  	_ =	swait.ge @!p0 [sflag:s0], s1  }
0x9e: {  	s1 =	ssub.s32 @!p0 $0x0, s1;
	[sflag:s0] =	ssyncset.done @!p0 $0x0  }
0x9f: {  	[sflag:s0] =	ssyncadd.s32 @!p0 s1  }
0xa0: {  	[bflag:$0x3] =	sbarrier.arrive $0xFFFF  }
0xa1: {  	_ =	shalt  }

// kernel: kernel.15.cloned.1.call-start
scs
__scs_entry_jumppad:
0x0: {  	(pc) =	sbr.rel $0x88, $3  }
0x1: {  	(tag) =	ssettag $0x0;
	lr =	simm.s32 $0x1  }
0x2: {  	[smem:$0x3F97] =	sst lr;
	_ =	strace $0xD0000000  }
0x3: {  	_ = 	snop  }
0x4: {  	_ = 	snop  }
0x5: {  	_ = 	snop  }
0x6: {  	_ = 	snop  }
0x7: {  	_ = 	snop  }
__scs_overlays_trampoline_lowered:
0x8: {  	[smem:$0x3FA6] =	sst s0  }
0x9: {  	[smem:$0x3FA7] =	sst s1  }
0xa: {  	[smem:$0x3FA8] =	sst s2  }
0xb: {  	[smem:$0x3FA9] =	sst s3  }
0xc: {  	[smem:$0x3FAA] =	sst s4  }
0xd: {  	[smem:$0x3FAB] =	sst s5  }
0xe: {  	[smem:$0x3FAC] =	sst s6  }
0xf: {  	[smem:$0x3FAD] =	sst s7  }
0x10: {  	[smem:$0x3FAE] =	sst s8  }
0x11: {  	[smem:$0x3FAF] =	sst s9;
	s0 =	simm.s32 @!p0 $0x0  }
0x12: {  	s1 =	sld [smem:$0x3F95];
	s0 =	simm.s32 @p0 $0x1  }
0x13: {  	[smem:$0x3FB0] =	sst s0;
	s0 =	simm.s32 @!p1 $0x0  }
0x14: {  	s2 =	sld [smem:$0x3F94];
	s0 =	simm.s32 @p1 $0x1  }
0x15: {  	[smem:$0x3FB1] =	sst s0;
	s0 =	simm.s32 @!p2 $0x0  }
0x16: {  	s3 =	sld [smem:$0x3FDB];
	s0 =	simm.s32 @p2 $0x1  }
0x17: {  	s4 =	simm.s32 $0x1BF5;
	[smem:$0x3FB3] =	sst s0  }
0x18: {  	s0 =	sld [smem:$0x3F96];
	_ =	swait.ge [sflag:s4], $0x0  }
0x19: {  	s7 =	sld [smem:$0x3F97]  }
0x1a: {  	s8 =	sadd.s32 $0xFFFFE003, lr  }
0x1b: {  	s9 =	sadd.s32 $0xFFFFFEF7, lr;
	s5 =	simm.s32 $0xFFFFFFFF;
	p2 =	slt.u32 s8, $0xFFFFF086  }
0x1c: {  	p1 =	slt.u32 s9, $0xF7A;
	s5 =	simm.s32 @!p2 $0x0  }
0x1d: {  	s5 =	simm.s32 @p1 $0x1;
	p0 =	seq.s32 s7, s2  }
0x1e: {  	s7 =	smul.u32 @!p0 $0xF7A, s2;
	p2 =	seq.s32 @!p0 s5, $0x0  }
0x1f: {  	s9 =	smul.u32 $0xF7A, s1;
	s8 =	simm.s32 @!p0 $0x1BF5;
	p2 =	por !p2, p0  }
0x20: {  	[sflag:s8] =	ssyncset.s32 @!p0 $0xFFFFF086;
	s6 =	sadd.s32 @!p0 s3, s7;
	s7 =	simm.s32 @!p0 $0x108  }
0x21: {  	s3 =	sadd.s32 s3, s9;
	s6 =	sadd.s32 @!p0 $0x88, s6;
	s7 =	simm.s32 @p2 $0x1082  }
0x22: {  	[simem:s7], [sflag:s8] =	dma.local @!p0 [hbm:s6], $0xF7A  }
0x23: {  	s9 =	sor.u32 $0xD0000000, s2;
	s6 =	simm.s32 $0x108;
	_ =	swait.ge @!p0 [sflag:s8], $0x0  }
0x24: {  	s3 =	sadd.s32 $0x88, s3;
	s6 =	simm.s32 @!p1 $0x1082;
	[sflag:s4] =	ssyncset.s32 $0xFFFFF086  }
0x25: {  	[simem:s6], [sflag:s4] =	dma.local [hbm:s3], $0xF7A  }
0x26: {  	[smem:$0x3F97] =	sst s1;
	(tag) =	ssettag s2;
	_ =	strace s9  }
0x27: {  	s1 =	sld [smem:$0x3FA7]  }
0x28: {  	s2 =	sld [smem:$0x3FA8]  }
0x29: {  	s4 =	sld [smem:$0x3FAA]  }
0x2a: {  	p0 =	seq.s32 s5, $0x0;
	s5 =	sld [smem:$0x3FAB]  }
0x2b: {  	s6 =	sld [smem:$0x3FAC]  }
0x2c: {  	s7 =	sld [smem:$0x3FAD]  }
0x2d: {  	s3 =	simm.s32 $0x108;
	s8 =	sld [smem:$0x3FAE]  }
0x2e: {  	s3 =	simm.s32 @!p0 $0x1082;
	s9 =	sld [smem:$0x3FAF]  }
0x2f: {  	lr =	sadd.s32 s0, s3;
	s0 =	sld [smem:$0x3FA6]  }
0x30: {  	s3 =	sld [smem:$0x3FA9]  }
0x31: {  	[smem:$0x3FB2] =	sst s10  }
0x32: {  	s10 =	sld [smem:$0x3FB0];
	_ =	sdelay $0x3  }
0x33: {  	p0 =	seq.s32 s10, $0x1;
	s10 =	sld [smem:$0x3FB2];
	_ =	sdelay $0x3  }
0x34: {  	[smem:$0x3FB2] =	sst s10  }
0x35: {  	s10 =	sld [smem:$0x3FB1];
	_ =	sdelay $0x3  }
0x36: {  	p1 =	seq.s32 s10, $0x1;
	s10 =	sld [smem:$0x3FB2];
	_ =	sdelay $0x3  }
0x37: {  	[smem:$0x3FB2] =	sst s10  }
0x38: {  	s10 =	sld [smem:$0x3FB3]  }
0x39: {  	_ = 	snop;
	(pc) =	sbr.ind lr, $3  }
0x3a: {  	_ = 	snop  }
0x3b: {  	_ = 	snop  }
0x3c: {  	p2 =	seq.s32 s10, $0x1;
	s10 =	sld [smem:$0x3FB2]  }
0x3d: {  	_ =	shalt  }
0x3e: {  	_ =	shalt  }
0x3f: {  	_ =	shalt  }
0x40: {  	_ =	shalt  }
0x41: {  	_ =	shalt  }
0x42: {  	_ =	shalt  }
0x43: {  	_ =	shalt  }
0x44: {  	_ =	shalt  }
0x45: {  	_ =	shalt  }
0x46: {  	_ =	shalt  }
0x47: {  	_ =	shalt  }
0x48: {  	_ =	shalt  }
0x49: {  	_ =	shalt  }
0x4a: {  	_ =	shalt  }
0x4b: {  	_ =	shalt  }
0x4c: {  	_ =	shalt  }
0x4d: {  	_ =	shalt  }
0x4e: {  	_ =	shalt  }
0x4f: {  	_ =	shalt  }
0x50: {  	_ =	shalt  }
0x51: {  	_ =	shalt  }
0x52: {  	_ =	shalt  }
0x53: {  	_ =	shalt  }
0x54: {  	_ =	shalt  }
0x55: {  	_ =	shalt  }
0x56: {  	_ =	shalt  }
0x57: {  	_ =	shalt  }
0x58: {  	_ =	shalt  }
0x59: {  	_ =	shalt  }
0x5a: {  	_ =	shalt  }
0x5b: {  	_ =	shalt  }
0x5c: {  	_ =	shalt  }
0x5d: {  	_ =	shalt  }
0x5e: {  	_ =	shalt  }
0x5f: {  	_ =	shalt  }
0x60: {  	_ =	shalt  }
0x61: {  	_ =	shalt  }
0x62: {  	_ =	shalt  }
0x63: {  	_ =	shalt  }
0x64: {  	_ =	shalt  }
0x65: {  	_ =	shalt  }
0x66: {  	_ =	shalt  }
0x67: {  	_ =	shalt  }
0x68: {  	_ =	shalt  }
0x69: {  	_ =	shalt  }
0x6a: {  	_ =	shalt  }
0x6b: {  	_ =	shalt  }
0x6c: {  	_ =	shalt  }
0x6d: {  	_ =	shalt  }
0x6e: {  	_ =	shalt  }
0x6f: {  	_ =	shalt  }
0x70: {  	_ =	shalt  }
0x71: {  	_ =	shalt  }
0x72: {  	_ =	shalt  }
0x73: {  	_ =	shalt  }
0x74: {  	_ =	shalt  }
0x75: {  	_ =	shalt  }
0x76: {  	_ =	shalt  }
0x77: {  	_ =	shalt  }
0x78: {  	_ =	shalt  }
0x79: {  	_ =	shalt  }
0x7a: {  	_ =	shalt  }
0x7b: {  	_ =	shalt  }
0x7c: {  	_ =	shalt  }
0x7d: {  	_ =	shalt  }
0x7e: {  	_ =	shalt  }
0x7f: {  	_ =	shalt  }
0x80: {  	_ =	shalt  }
0x81: {  	_ =	shalt  }
0x82: {  	_ =	shalt  }
0x83: {  	_ =	shalt  }
0x84: {  	_ =	shalt  }
0x85: {  	_ =	shalt  }
0x86: {  	_ =	shalt  }
0x87: {  	_ =	shalt  }
.Lfunc_end0:
.L_simem_size_0:
called_computation.2_lowered:
.L_overlay_start_0:
0x88: {  	s2 =	sld [smem:$0x3FD9]  }
0x89: {  	s3 =	sld [smem:$0x3FFE];
	_ =	sdelay $0x1  }
0x8a: {  	s1 =	srdreg.scid  }
0x8b: {  	s0 =	sand.u32 $0x1, s1  }
0x8c: {  	s17 =	sshll.u32 s0, $0xA;
	s2 =	sadd.s32 s3, s2  }
0x8d: {  	s2 =	sadd.s32 s2, s17  }
0x8e: {  	[smem:$0x3FBE] =	sst s2  }
0x8f: {  	_ = 	snop  }
0x90: {  	s2 =	sld [smem:$0x3FD0];
	(tm) =	ssettm $0x1  }
0x91: {  	s18 =	sld [smem:$0x3FFB];
	_ =	sdelay $0x3  }
0x92: {  	_ =	strace s18  }
0x93: {  	s3 =	sld [smem:$0x3FFC];
	_ =	sdelay $0x3  }
0x94: {  	_ =	strace s3  }
0x95: {  	s3 =	sld [smem:$0x3FFD];
	_ =	sdelay $0x3  }
0x96: {  	_ =	strace s3  }
0x97: {  	_ =	strace $0x8FFFFFFF  }
0x98: {  	s19 =	sld [smem:$0x3FDB];
	_ =	sdelay $0x1  }
0x99: {  	s4 =	simm.s32 $_scs_section_size  }
0x9a: {  	s5 =	simm.s32 $_size__tile_overlayer_lowered;
	s6 =	simm.s32 $_tile_overlayer_lowered  }
0x9b: {  	s22 =	simm.s32 $0x1BFF;
	s21 =	sshll.u32 s6, $0x1;
	s3 =	sadd.s32 s4, s19  }
0x9c: {  	s7 =	simm.s32 $0x0;
	s20 =	sshll.u32 s5, $0x1;
	s5 =	sadd.s32 s21, s3  }
0x9d: {  	[timem:s7], [sflag:s22] =	dma.local [hbm:s5], s20  }
0x9e: {  	_ =	swait.ge [sflag:s22], s20  }
0x9f: {  	s4 =	ssub.s32 $0x0, s20;
	[sflag:s22] =	ssyncset.done $0x0  }
0xa0: {  	[sflag:s22] =	ssyncadd.s32 s4;
	_ =	sdelay $0x1  }
0xa1: {  	s23 =	simm.s32 $0x1B8B  }
0xa2: {  	_ =	swait.ge [sflag:s23], $0x1  }
0xa3: {  	[sflag:s23] =	ssyncset.done $0x0  }
0xa4: {  	s25 =	simm.s32 $0x1B8E;
	s24 =	sld [smem:$0x3FFE];
	[sflag:s23] =	ssyncadd.s32 $0xFFFFFFFF  }
0xa5: {  	s26 =	simm.s32 $execute0_lowered;
	[smem:$0x3FD2] =	sst s25  }
0xa6: {  	s5 =	sshll.u32 s26, $0x1;
	_ =	strace $0x8000004C;
	[dreg:$0x1] =	wrdreg $0xFFFFFFFF  }
0xa7: {  	s28 =	simm.s32 $_size_execute0_lowered;
	s3 =	sadd.s32 s3, s5;
	[dreg:$0x0] =	wrdreg $0x0  }
0xa8: {  	s5 =	sshll.u32 s28, $0x1;
	[dreg:$0x2] =	wrdreg s3  }
0xa9: {  	[dreg:$0x3] =	wrdreg s5  }
0xaa: {  	[dreg:$0x4] =	wrdreg $0xC0  }
0xab: {  	_ =	task [dreg:s7], $0x5FFFF  }
0xac: {  	[dreg:$0x1] =	wrdreg $0xFFFFFFFF  }
0xad: {  	[dreg:$0x0] =	wrdreg $0x60  }
0xae: {  	[dreg:$0x2] =	wrdreg s24  }
0xaf: {  	[dreg:$0x3] =	wrdreg s2  }
0xb0: {  	[dreg:$0x4] =	wrdreg $0xAA000  }
0xb1: {  	[dreg:$0x5] =	wrdreg $0x9  }
0xb2: {  	_ =	task.clear_ibuf [dreg:s7], $0x6FFFF;
	_ =	strace $0x9000004C  }
0xb3: {  	s29 =	simm.s32 $0x9;
	_ =	strace $0x8000004E  }
0xb4: {  	_ =	swait.ge [sflag:s29], $0x1  }
0xb5: {  	[sflag:s29] =	ssyncadd.s32 $0xFFFFFFFF  }
0xb6: {  	_ =	strace $0x9000004E  }
0xb7: {  	_ =	sfence  }
0xb8: {  	s30 =	sld [smem:$0x0];
	_ =	sdelay $0x2  }
0xb9: {  	s31 =	sshll.u32 s1, $0xD;
	s1 =	sshrl.u32 s1, $0x2  }
0xba: {  	s3 =	sand.u32 $0x4000, s31;
	s1 =	sadd.s32 s1, s30  }
0xbb: {  	s0 =	sor.u32 s3, s0;
	s1 =	sshll.u32 s1, $0x11  }
0xbc: {  	s0 =	sor.u32 s1, s0  }
0xbd: {  	s0 =	sadd.s32 $0x8F2B, s0  }
0xbe: {  	[sflag:s0] =	ssyncadd.remote.s32 $0x1  }
0xbf: {  	_ =	sfence.sel $0xFFFF  }
0xc0: {  	[dreg:$0x0] =	wrdreg $0xFFFFFFFF;
	(pc) =	sbr.abs _section_cstart, $3  }
0xc1: {  	[dreg:$0x1] =	wrdreg $0xFFFFFFFF  }
0xc2: {  	_ =	task.clear_ibuf [dreg:s7], $0x2FFFF;
	_ =	strace $0x9FFFFFFF  }
0xc3: {  	(tm) =	ssettm $0x7FFFFFFF  }
tec
execute0_lowered:
.L_overlay_start_1:
0x0: {  	(tag) =	ssettag $0x1  }
0x1: {  	s0 =	srdreg.scid  }
0x2: {  	s12 =	stileid.u32;
	s1 =	rddreg [dreg:$0x0]  }
0x3: {  	s3 =	rddreg [dreg:$0x2];
	s4 =	simm.s32 $0x0;
	s28 =	simm.s32 $0x6A00  }
0x4: {  	s29 =	simm.s32 $0x2980;
	s31 =	simm.s32 $0x8A00;
	s7 =	smul.u32 $0x14000, s12  }
0x5: {  	s30 =	simm.s32 $0x0;
	s0 =	sand.u32 $0x1, s0;
	s16 =	smul.u32 $0x50000, s12  }
0x6: {  	s2 =	sshll.u32 s12, $0x1;
	[smem:$0x7FF] =	sst s4;
	s10 =	smul.u32 $0x5000, s12  }
0x7: {  	s5 =	sadd.s32 $0x66800, s1;
	s11 =	sadd.s32 $0xC800, s1;
	s6 =	smul.u32 $0x140000, s0  }
0x8: {  	s2 =	sor.u32 s0, s2;
	s9 =	ssub.s32 $0x2, s0;
	s0 =	smul.u32 $0x2800, s0  }
0x9: {  	s26 =	sshll.u32 s12, $0x6;
	_ =	strace $0x8000004D;
	s2 =	smul.u32 $0x2800, s2  }
0xa: {  	s17 =	sshrl.u32 s9, $0x1;
	s6 =	sadd.s32 s7, s6;
	s7 =	sshrl.u32 s16, $0x2  }
0xb: {  	s0 =	sadd.s32 s0, s10;
	s2 =	sshrl.u32 s2, $0x3;
	s6 =	sshrl.u32 s6, $0x3  }
0xc: {  	s13 =	sadd.s32 s7, s3;
	s20 =	sor.u32 $0x100, s0;
	s23 =	sor.u32 $0x140, s0  }
0xd: {  	s24 =	sor.u32 $0x180, s0;
	s0 =	sor.u32 $0x1C0, s0;
	s8 =	sadd.s32 s2, s1  }
0xe: {  	s1 =	sadd.s32 s6, s1;
	s6 =	ssub.s32 s9, s17;
	s18 =	sadd.s32 s11, s2  }
0xf: {  	s21 =	sshrl.u32 s20, $0x3;
	s8 =	sadd.s32 $0x2800, s8;
	[dreg:$0x5] =	wrdreg s18  }
0x10: {  	s25 =	sshrl.u32 s24, $0x3;
	s2 =	sadd.s32 $0x8, s18;
	[dreg:$0x4] =	wrdreg s8  }
0x11: {  	s0 =	sshrl.u32 s0, $0x3;
	s19 =	sadd.s32 $0x10, s18;
	[dreg:$0x6] =	wrdreg s2  }
0x12: {  	s17 =	simm.s32 $0x9;
	s7 =	sadd.s32 $0x18, s18;
	[dreg:$0x7] =	wrdreg s19  }
0x13: {  	s20 =	simm.s32 $0x2800;
	s1 =	sadd.s32 $0x8DA00, s1;
	[dreg:$0x8] =	wrdreg s7  }
0x14: {  	s24 =	simm.s32 $0x8;
	s22 =	smax.u32 s6, $0x1;
	[dreg:$0x9] =	wrdreg s1  }
0x15: {  	s0 =	sadd.s32 s0, s11;
	s18 =	sor.u32 $0x1C09, s26;
	[dreg:$0xa] =	wrdreg s22  }
0x16: {  	s26 =	simm.s32 $0x4;
	s1 =	sadd.s32 s21, s11;
	[dreg:$0xe] =	wrdreg s0  }
.Ltmp0:
0x17: {  	s19 =	sshrl.u32 s13, $0x3;
	s21 =	simm.s32 $0x40;
	(pc) =	sbr.rel .LBB2_1-.Ltmp0, $4  }
0x18: {  	s22 =	simm.s32 $0x2A00;
	[dreg:$0xb] =	wrdreg s1;
	s1 =	sshrl.u32 s23, $0x3  }
0x19: {  	s0 =	simm.s32 $0x1;
	s2 =	simm.s32 $0x7;
	s1 =	sadd.s32 s1, s11  }
0x1a: {  	s23 =	simm.s32 $0x3;
	[dreg:$0xc] =	wrdreg s1;
	s1 =	sadd.s32 s25, s11  }
0x1b: {  	s25 =	simm.s32 $0x2900;
	[dreg:$0xd] =	wrdreg s1;
	s1 =	simm.s32 $0x5  }
.LBB2_4:
0x1c: {  	_ =	swait.ge [sflag:s24], $0x40  }
0x1d: {  	[sflag:s24] =	ssyncset.done $0x0  }
0x1e: {  	[sflag:s24] =	ssyncadd.s32 $0xFFFFFFC0  }
0x1f: {  	_ =	swait.ge [sflag:s26], $0x2000  }
0x20: {  	[sflag:s26] =	ssyncset.done $0x0  }
0x21: {  	[sflag:s26] =	ssyncadd.s32 $0xFFFFE000  }
0x22: {  	[spmem:s3] =	stream.indirect.scatter.add.f32 [tilespmem:s31], [sflag:$0x9], $0x80, s29, s21, $0xb8;
	[tilespmem:$0x1EA00] =	vst v63  }
0x23: {  	_ =	swait.ge [sflag:s17], $0x2000  }
0x24: {  	[sflag:s17] =	ssyncset.done $0x0  }
0x25: {  	[sflag:s17] =	ssyncadd.s32 $0xFFFFE000  }
0x26: {  	[bflag:$0x0] =	sbarrier.arrive $0xFFFF  }
0x27: {  	s6 =	rddreg [dreg:$0x9]  }
0x28: {  	[hbm:s6], [sflag:s18] =	dma.local [spmem:s19], $0x2800  }
0x29: {  	_ =	swait.ge [sflag:s17], $0x2800  }
0x2a: {  	s30 =	sadd.s32 $0x1, s30;
	s16 =	rddreg [dreg:$0xa]  }
0x2b: {  	p0 =	sne.s32 s30, s16  }
.Ltmp1:
0x2c: {  	_ = 	snop;
	(pc) =	sbr.rel @!p0 .LBB2_5-.Ltmp1, $3  }
0x2d: {  	_ =	sdelay $0x1  }
0x2e: {  	[sflag:s17] =	ssyncset.done $0x0  }
0x2f: {  	[sflag:s17] =	ssyncadd.s32 $0xFFFFD800  }
.LBB2_1:
0x30: {  	s6 =	rddreg [dreg:$0x4]  }
0x31: {  	[tilespmem:s4], [sflag:$0x9] =	stream.linear.gather [hbm4b:s6+s4], $0x2800, $0x38;
	[tilespmem:$0x1EA00] =	vst v63  }
0x32: {  	_ =	swait.ge [sflag:s17], $0x2800  }
0x33: {  	[sflag:s17] =	ssyncset.done $0x0  }
0x34: {  	[sflag:s17] =	ssyncadd.s32 $0xFFFFD800  }
0x35: {  	s9 =	rddreg [dreg:$0x1]  }
0x36: {  	[spmem:s19], [sflag:s18] =	dma.local [hbm:s9], $0x2800  }
0x37: {  	_ =	swait.ge [sflag:s17], $0x2800  }
0x38: {  	[sflag:s17] =	ssyncset.done $0x0  }
0x39: {  	s10 =	rddreg [dreg:$0x5];
	[sflag:s17] =	ssyncadd.s32 $0xFFFFD800  }
0x3a: {  	[tilespmem:s20], [sflag:$0x5] =	stream.linear.gather [hbm4b:s10+s4], $0x40, $0x38;
	[tilespmem:$0x1EA00] =	vst v63  }
0x3b: {  	_ = 	snop  }
0x3c: {  	[tilespmem:s22], [sflag:$0x1] =	stream.indirect.gather [hbm4b:s5+s21], $0x80, s4, s21, $0xb8;
	[tilespmem:$0x1EA00] =	vst v63  }
0x3d: {  	s7 =	simm.s32 $0x2880;
	s11 =	rddreg [dreg:$0x6]  }
0x3e: {  	[tilespmem:s7], [sflag:$0x6] =	stream.linear.gather [hbm4b:s11+s4], $0x40, $0x38;
	[tilespmem:$0x1EA00] =	vst v63  }
0x3f: {  	s12 =	simm.s32 $0x4A00  }
0x40: {  	[tilespmem:s12], [sflag:$0x2] =	stream.indirect.gather [hbm4b:s5+s21], $0x80, s21, s21, $0xb8;
	[tilespmem:$0x1EA00] =	vst v63  }
0x41: {  	s13 =	rddreg [dreg:$0x7]  }
0x42: {  	[tilespmem:s25], [sflag:$0x7] =	stream.linear.gather [hbm4b:s13+s4], $0x40, $0x38;
	[tilespmem:$0x1EA00] =	vst v63  }
0x43: {  	s14 =	simm.s32 $0x80  }
0x44: {  	[tilespmem:s28], [sflag:$0x3] =	stream.indirect.gather [hbm4b:s5+s21], $0x80, s14, s21, $0xb8;
	[tilespmem:$0x1EA00] =	vst v63  }
0x45: {  	s15 =	rddreg [dreg:$0x8]  }
0x46: {  	[tilespmem:s29], [sflag:$0x8] =	stream.linear.gather [hbm4b:s15+s4], $0x40, $0x38;
	[tilespmem:$0x1EA00] =	vst v63  }
0x47: {  	s16 =	simm.s32 $0xC0  }
0x48: {  	[tilespmem:s31], [sflag:$0x4] =	stream.indirect.gather [hbm4b:s5+s21], $0x80, s16, s21, $0xb8;
	[tilespmem:$0x1EA00] =	vst v63  }
0x49: {  	[bflag:$0x0] =	sbarrier.arrive $0xFFFF  }
0x4a: {  	s16 =	rddreg [dreg:$0xe]  }
0x4b: {  	s15 =	rddreg [dreg:$0xd]  }
0x4c: {  	s14 =	rddreg [dreg:$0xc]  }
0x4d: {  	s11 =	simm.s32 $0x0;
	s13 =	rddreg [dreg:$0xb]  }
.LBB2_2:
0x4e: {  	_ =	swait.ge [sflag:s1], $0x40  }
0x4f: {  	[sflag:s1] =	ssyncset.done $0x0  }
0x50: {  	[sflag:s1] =	ssyncadd.s32 $0xFFFFFFC0  }
0x51: {  	_ =	swait.ge [sflag:s0], $0x2000  }
0x52: {  	[sflag:s0] =	ssyncset.done $0x0  }
0x53: {  	[sflag:s0] =	ssyncadd.s32 $0xFFFFE000  }
0x54: {  	[spmem:s3] =	stream.indirect.scatter.add.f32 [tilespmem:s22], [sflag:$0x9], $0x80, s20, s21, $0xb8;
	[tilespmem:$0x1EA00] =	vst v63  }
0x55: {  	_ =	swait.ge [sflag:s17], $0x2000  }
0x56: {  	p0 =	seq.s32 s11, $0x9C00;
	[sflag:s17] =	ssyncset.done $0x0  }
0x57: {  	s12 =	simm.s32 @p0 $0x6;
	[sflag:s17] =	ssyncadd.s32 $0xFFFFE000  }
0x58: {  	_ =	swait.ge @p0 [sflag:s12], $0x40  }
0x59: {  	[sflag:s12] =	ssyncset.done @p0 $0x0  }
0x5a: {  	[sflag:s12] =	ssyncadd.s32 @p0 $0xFFFFFFC0;
	s12 =	simm.s32 @p0 $0x2  }
0x5b: {  	_ =	swait.ge @p0 [sflag:s12], $0x2000  }
0x5c: {  	s10 =	simm.s32 @p0 $0x2880;
	[sflag:s12] =	ssyncset.done @p0 $0x0  }
0x5d: {  	s9 =	simm.s32 @p0 $0x4A00;
	[sflag:s12] =	ssyncadd.s32 @p0 $0xFFFFE000;
	s12 =	simm.s32 @p0 $0x40  }
0x5e: {  	[spmem:s3] =	stream.indirect.scatter.add.f32 @p0 [tilespmem:s9], [sflag:$0x9], $0x80, s10, s12, $0xb8;
	[tilespmem:$0x1EA00] =	vst v63  }
0x5f: {  	s9 =	simm.s32 @p0 $0x9  }
0x60: {  	_ =	swait.ge @p0 [sflag:s9], $0x2000  }
0x61: {  	[sflag:s9] =	ssyncset.done @p0 $0x0  }
0x62: {  	s10 =	simm.s32 @!p0 $0x2800;
	[sflag:s9] =	ssyncadd.s32 @p0 $0xFFFFE000;
	s9 =	simm.s32 @!p0 $0x0  }
0x63: {  	[tilespmem:s10], [sflag:$0x5] =	stream.linear.gather @!p0 [hbm4b:s13+s9], $0x40, $0x38;
	[tilespmem:$0x1EA00] =	vst v63  }
0x64: {  	s10 =	sshra.s32 @!p0 s11, $0x2  }
0x65: {  	s7 =	simm.s32 @!p0 $0x40;
	s8 =	simm.s32 @!p0 $0x2A00;
	s12 =	sadd.s32 @!p0 $0x100, s10  }
0x66: {  	[tilespmem:s8], [sflag:$0x1] =	stream.indirect.gather @!p0 [hbm4b:s5+s7], $0x80, s12, s7, $0xb8;
	[tilespmem:$0x1EA00] =	vst v63  }
0x67: {  	s8 =	simm.s32 @!p0 $0x6  }
0x68: {  	_ =	swait.ge @!p0 [sflag:s8], $0x40  }
0x69: {  	[sflag:s8] =	ssyncset.done @!p0 $0x0  }
0x6a: {  	[sflag:s8] =	ssyncadd.s32 @!p0 $0xFFFFFFC0;
	s8 =	simm.s32 @!p0 $0x2  }
0x6b: {  	_ =	swait.ge @!p0 [sflag:s8], $0x2000  }
0x6c: {  	s6 =	simm.s32 @!p0 $0x9;
	[sflag:s8] =	ssyncset.done @!p0 $0x0  }
0x6d: {  	s12 =	simm.s32 @!p0 $0x4A00;
	[sflag:s8] =	ssyncadd.s32 @!p0 $0xFFFFE000;
	s8 =	simm.s32 @!p0 $0x2880  }
0x6e: {  	[spmem:s3] =	stream.indirect.scatter.add.f32 @!p0 [tilespmem:s12], [sflag:$0x9], $0x80, s8, s7, $0xb8;
	[tilespmem:$0x1EA00] =	vst v63  }
0x6f: {  	_ =	swait.ge @!p0 [sflag:s6], $0x2000  }
0x70: {  	[sflag:s6] =	ssyncset.done @!p0 $0x0  }
0x71: {  	[sflag:s6] =	ssyncadd.s32 @!p0 $0xFFFFE000  }
0x72: {  	[tilespmem:s8], [sflag:$0x6] =	stream.linear.gather @!p0 [hbm4b:s14+s9], $0x40, $0x38;
	[tilespmem:$0x1EA00] =	vst v63  }
0x73: {  	s6 =	sadd.s32 @!p0 $0x140, s10  }
0x74: {  	[tilespmem:s12], [sflag:$0x2] =	stream.indirect.gather @!p0 [hbm4b:s5+s7], $0x80, s6, s7, $0xb8;
	[tilespmem:$0x1EA00] =	vst v63  }
0x75: {  	_ =	swait.ge [sflag:s2], $0x40  }
0x76: {  	[sflag:s2] =	ssyncset.done $0x0  }
0x77: {  	[sflag:s2] =	ssyncadd.s32 $0xFFFFFFC0  }
0x78: {  	_ =	swait.ge [sflag:s23], $0x2000  }
0x79: {  	[sflag:s23] =	ssyncset.done $0x0  }
.Ltmp2:
0x7a: {  	[sflag:s23] =	ssyncadd.s32 $0xFFFFE000;
	(pc) =	sbr.rel @p0 .LBB2_4-.Ltmp2, $4  }
0x7b: {  	[spmem:s3] =	stream.indirect.scatter.add.f32 [tilespmem:s28], [sflag:$0x9], $0x80, s25, s21, $0xb8;
	[tilespmem:$0x1EA00] =	vst v63  }
0x7c: {  	_ =	swait.ge [sflag:s17], $0x2000  }
0x7d: {  	[sflag:s17] =	ssyncset.done $0x0  }
0x7e: {  	[sflag:s17] =	ssyncadd.s32 $0xFFFFE000  }
0x7f: {  	[tilespmem:s25], [sflag:$0x7] =	stream.linear.gather [hbm4b:s15+s4], $0x40, $0x38;
	[tilespmem:$0x1EA00] =	vst v63  }
0x80: {  	s6 =	sshra.s32 s11, $0x2  }
0x81: {  	s7 =	sadd.s32 $0x180, s6  }
0x82: {  	[tilespmem:s28], [sflag:$0x3] =	stream.indirect.gather [hbm4b:s5+s21], $0x80, s7, s21, $0xb8;
	[tilespmem:$0x1EA00] =	vst v63  }
0x83: {  	_ =	swait.ge [sflag:s24], $0x40  }
0x84: {  	[sflag:s24] =	ssyncset.done $0x0  }
0x85: {  	[sflag:s24] =	ssyncadd.s32 $0xFFFFFFC0  }
0x86: {  	_ =	swait.ge [sflag:s26], $0x2000  }
0x87: {  	[sflag:s26] =	ssyncset.done $0x0  }
0x88: {  	[sflag:s26] =	ssyncadd.s32 $0xFFFFE000  }
0x89: {  	[spmem:s3] =	stream.indirect.scatter.add.f32 [tilespmem:s31], [sflag:$0x9], $0x80, s29, s21, $0xb8;
	[tilespmem:$0x1EA00] =	vst v63  }
0x8a: {  	_ =	swait.ge [sflag:s17], $0x2000  }
.Ltmp3:
0x8b: {  	s11 =	sadd.s32 $0x400, s11;
	[sflag:s17] =	ssyncset.done $0x0;
	(pc) =	sbr.rel .LBB2_2-.Ltmp3, $4  }
0x8c: {  	s13 =	sadd.s32 $0x20, s13;
	s14 =	sadd.s32 $0x20, s14;
	[sflag:s17] =	ssyncadd.s32 $0xFFFFE000  }
0x8d: {  	[tilespmem:s29], [sflag:$0x8] =	stream.linear.gather [hbm4b:s16+s4], $0x40, $0x38;
	[tilespmem:$0x1EA00] =	vst v63  }
0x8e: {  	s15 =	sadd.s32 $0x20, s15;
	s6 =	sadd.s32 $0x1C0, s6;
	s16 =	sadd.s32 $0x20, s16  }
0x8f: {  	[tilespmem:s31], [sflag:$0x4] =	stream.indirect.gather [hbm4b:s5+s21], $0x80, s6, s21, $0xb8;
	[tilespmem:$0x1EA00] =	vst v63  }
.LBB2_5:
0x90: {  	_ =	sfence.sel $0x180000  }
0x91: {  	[bflag:$0x0] =	sbarrier.arrive $0xFFFF  }
0x92: {  	_ =	strace $0x9000004D  }
0x93: {  	s0 =	stileid.u32;
	[bflag:$0x2] =	sbarrier.arrive $0xFFFF  }
0x94: {  	p0 =	sne.s32 s0, $0x0;
	s0 =	rddreg [dreg:$0x3]  }
0x95: {  	s0 =	sadd.s32 @!p0 $0x100000, s0  }
0x96: {  	[sflag:s0] =	ssyncadd.tile.s32 @!p0 $0x1;
	_ =	shalt  }
.Lfunc_end2:
_tile_overlayer_lowered:
.L_overlay_start_2:
0x97: {  	(tag) =	ssettag $0x2  }
0x98: {  	s0 =	rddreg [dreg:$0x0];
	s2 =	stileid.u32  }
0x99: {  	s1 =	rddreg [dreg:$0x1];
	p0 =	sne.s32 s2, $0x0  }
0x9a: {  	s3 =	rddreg [dreg:$0x2];
	[bflag:$0x3] =	sbarrier.arrive $0xFFFF;
	s2 =	simm.s32 @!p0 $0x1C09  }
0x9b: {  	[timem:s3], [sflag:s2] =	dma.local @!p0 [hbm:s0], s1  }
0x9c: {  	s0 =	simm.s32 @!p0 $0x9  }
0x9d: {  	_ =	swait.ge @!p0 [sflag:s0], s1  }
0x9e: {  	s1 =	ssub.s32 @!p0 $0x0, s1;
	[sflag:s0] =	ssyncset.done @!p0 $0x0  }
0x9f: {  	[sflag:s0] =	ssyncadd.s32 @!p0 s1  }
0xa0: {  	[bflag:$0x3] =	sbarrier.arrive $0xFFFF  }
0xa1: {  	_ =	shalt  }

// kernel: kernel.9.cloned.1.call-start
scs
__scs_entry_jumppad:
0x0: {  	(pc) =	sbr.rel $0x88, $3  }
0x1: {  	(tag) =	ssettag $0x0;
	lr =	simm.s32 $0x1  }
0x2: {  	[smem:$0x3F97] =	sst lr;
	_ =	strace $0xD0000000  }
0x3: {  	_ = 	snop  }
0x4: {  	_ = 	snop  }
0x5: {  	_ = 	snop  }
0x6: {  	_ = 	snop  }
0x7: {  	_ = 	snop  }
__scs_overlays_trampoline_lowered:
0x8: {  	[smem:$0x3FA6] =	sst s0  }
0x9: {  	[smem:$0x3FA7] =	sst s1  }
0xa: {  	[smem:$0x3FA8] =	sst s2  }
0xb: {  	[smem:$0x3FA9] =	sst s3  }
0xc: {  	[smem:$0x3FAA] =	sst s4  }
0xd: {  	[smem:$0x3FAB] =	sst s5  }
0xe: {  	[smem:$0x3FAC] =	sst s6  }
0xf: {  	[smem:$0x3FAD] =	sst s7  }
0x10: {  	[smem:$0x3FAE] =	sst s8  }
0x11: {  	[smem:$0x3FAF] =	sst s9;
	s0 =	simm.s32 @!p0 $0x0  }
0x12: {  	s1 =	sld [smem:$0x3F95];
	s0 =	simm.s32 @p0 $0x1  }
0x13: {  	[smem:$0x3FB0] =	sst s0;
	s0 =	simm.s32 @!p1 $0x0  }
0x14: {  	s2 =	sld [smem:$0x3F94];
	s0 =	simm.s32 @p1 $0x1  }
0x15: {  	[smem:$0x3FB1] =	sst s0;
	s0 =	simm.s32 @!p2 $0x0  }
0x16: {  	s3 =	sld [smem:$0x3FDB];
	s0 =	simm.s32 @p2 $0x1  }
0x17: {  	s4 =	simm.s32 $0x1BF5;
	[smem:$0x3FB3] =	sst s0  }
0x18: {  	s0 =	sld [smem:$0x3F96];
	_ =	swait.ge [sflag:s4], $0x0  }
0x19: {  	s7 =	sld [smem:$0x3F97]  }
0x1a: {  	s8 =	sadd.s32 $0xFFFFE003, lr  }
0x1b: {  	s9 =	sadd.s32 $0xFFFFFEF7, lr;
	s5 =	simm.s32 $0xFFFFFFFF;
	p2 =	slt.u32 s8, $0xFFFFF086  }
0x1c: {  	p1 =	slt.u32 s9, $0xF7A;
	s5 =	simm.s32 @!p2 $0x0  }
0x1d: {  	s5 =	simm.s32 @p1 $0x1;
	p0 =	seq.s32 s7, s2  }
0x1e: {  	s7 =	smul.u32 @!p0 $0xF7A, s2;
	p2 =	seq.s32 @!p0 s5, $0x0  }
0x1f: {  	s9 =	smul.u32 $0xF7A, s1;
	s8 =	simm.s32 @!p0 $0x1BF5;
	p2 =	por !p2, p0  }
0x20: {  	[sflag:s8] =	ssyncset.s32 @!p0 $0xFFFFF086;
	s6 =	sadd.s32 @!p0 s3, s7;
	s7 =	simm.s32 @!p0 $0x108  }
0x21: {  	s3 =	sadd.s32 s3, s9;
	s6 =	sadd.s32 @!p0 $0x88, s6;
	s7 =	simm.s32 @p2 $0x1082  }
0x22: {  	[simem:s7], [sflag:s8] =	dma.local @!p0 [hbm:s6], $0xF7A  }
0x23: {  	s9 =	sor.u32 $0xD0000000, s2;
	s6 =	simm.s32 $0x108;
	_ =	swait.ge @!p0 [sflag:s8], $0x0  }
0x24: {  	s3 =	sadd.s32 $0x88, s3;
	s6 =	simm.s32 @!p1 $0x1082;
	[sflag:s4] =	ssyncset.s32 $0xFFFFF086  }
0x25: {  	[simem:s6], [sflag:s4] =	dma.local [hbm:s3], $0xF7A  }
0x26: {  	[smem:$0x3F97] =	sst s1;
	(tag) =	ssettag s2;
	_ =	strace s9  }
0x27: {  	s1 =	sld [smem:$0x3FA7]  }
0x28: {  	s2 =	sld [smem:$0x3FA8]  }
0x29: {  	s4 =	sld [smem:$0x3FAA]  }
0x2a: {  	p0 =	seq.s32 s5, $0x0;
	s5 =	sld [smem:$0x3FAB]  }
0x2b: {  	s6 =	sld [smem:$0x3FAC]  }
0x2c: {  	s7 =	sld [smem:$0x3FAD]  }
0x2d: {  	s3 =	simm.s32 $0x108;
	s8 =	sld [smem:$0x3FAE]  }
0x2e: {  	s3 =	simm.s32 @!p0 $0x1082;
	s9 =	sld [smem:$0x3FAF]  }
0x2f: {  	lr =	sadd.s32 s0, s3;
	s0 =	sld [smem:$0x3FA6]  }
0x30: {  	s3 =	sld [smem:$0x3FA9]  }
0x31: {  	[smem:$0x3FB2] =	sst s10  }
0x32: {  	s10 =	sld [smem:$0x3FB0];
	_ =	sdelay $0x3  }
0x33: {  	p0 =	seq.s32 s10, $0x1;
	s10 =	sld [smem:$0x3FB2];
	_ =	sdelay $0x3  }
0x34: {  	[smem:$0x3FB2] =	sst s10  }
0x35: {  	s10 =	sld [smem:$0x3FB1];
	_ =	sdelay $0x3  }
0x36: {  	p1 =	seq.s32 s10, $0x1;
	s10 =	sld [smem:$0x3FB2];
	_ =	sdelay $0x3  }
0x37: {  	[smem:$0x3FB2] =	sst s10  }
0x38: {  	s10 =	sld [smem:$0x3FB3]  }
0x39: {  	_ = 	snop;
	(pc) =	sbr.ind lr, $3  }
0x3a: {  	_ = 	snop  }
0x3b: {  	_ = 	snop  }
0x3c: {  	p2 =	seq.s32 s10, $0x1;
	s10 =	sld [smem:$0x3FB2]  }
0x3d: {  	_ =	shalt  }
0x3e: {  	_ =	shalt  }
0x3f: {  	_ =	shalt  }
0x40: {  	_ =	shalt  }
0x41: {  	_ =	shalt  }
0x42: {  	_ =	shalt  }
0x43: {  	_ =	shalt  }
0x44: {  	_ =	shalt  }
0x45: {  	_ =	shalt  }
0x46: {  	_ =	shalt  }
0x47: {  	_ =	shalt  }
0x48: {  	_ =	shalt  }
0x49: {  	_ =	shalt  }
0x4a: {  	_ =	shalt  }
0x4b: {  	_ =	shalt  }
0x4c: {  	_ =	shalt  }
0x4d: {  	_ =	shalt  }
0x4e: {  	_ =	shalt  }
0x4f: {  	_ =	shalt  }
0x50: {  	_ =	shalt  }
0x51: {  	_ =	shalt  }
0x52: {  	_ =	shalt  }
0x53: {  	_ =	shalt  }
0x54: {  	_ =	shalt  }
0x55: {  	_ =	shalt  }
0x56: {  	_ =	shalt  }
0x57: {  	_ =	shalt  }
0x58: {  	_ =	shalt  }
0x59: {  	_ =	shalt  }
0x5a: {  	_ =	shalt  }
0x5b: {  	_ =	shalt  }
0x5c: {  	_ =	shalt  }
0x5d: {  	_ =	shalt  }
0x5e: {  	_ =	shalt  }
0x5f: {  	_ =	shalt  }
0x60: {  	_ =	shalt  }
0x61: {  	_ =	shalt  }
0x62: {  	_ =	shalt  }
0x63: {  	_ =	shalt  }
0x64: {  	_ =	shalt  }
0x65: {  	_ =	shalt  }
0x66: {  	_ =	shalt  }
0x67: {  	_ =	shalt  }
0x68: {  	_ =	shalt  }
0x69: {  	_ =	shalt  }
0x6a: {  	_ =	shalt  }
0x6b: {  	_ =	shalt  }
0x6c: {  	_ =	shalt  }
0x6d: {  	_ =	shalt  }
0x6e: {  	_ =	shalt  }
0x6f: {  	_ =	shalt  }
0x70: {  	_ =	shalt  }
0x71: {  	_ =	shalt  }
0x72: {  	_ =	shalt  }
0x73: {  	_ =	shalt  }
0x74: {  	_ =	shalt  }
0x75: {  	_ =	shalt  }
0x76: {  	_ =	shalt  }
0x77: {  	_ =	shalt  }
0x78: {  	_ =	shalt  }
0x79: {  	_ =	shalt  }
0x7a: {  	_ =	shalt  }
0x7b: {  	_ =	shalt  }
0x7c: {  	_ =	shalt  }
0x7d: {  	_ =	shalt  }
0x7e: {  	_ =	shalt  }
0x7f: {  	_ =	shalt  }
0x80: {  	_ =	shalt  }
0x81: {  	_ =	shalt  }
0x82: {  	_ =	shalt  }
0x83: {  	_ =	shalt  }
0x84: {  	_ =	shalt  }
0x85: {  	_ =	shalt  }
0x86: {  	_ =	shalt  }
0x87: {  	_ =	shalt  }
.Lfunc_end0:
.L_simem_size_0:
called_computation_lowered:
.L_overlay_start_0:
0x88: {  	s2 =	sld [smem:$0x3FD9]  }
0x89: {  	s3 =	sld [smem:$0x3FFE];
	_ =	sdelay $0x1  }
0x8a: {  	s1 =	srdreg.scid  }
0x8b: {  	s0 =	sand.u32 $0x1, s1  }
0x8c: {  	s17 =	sshll.u32 s0, $0xA;
	s2 =	sadd.s32 s3, s2  }
0x8d: {  	s2 =	sadd.s32 s2, s17  }
0x8e: {  	[smem:$0x3FBE] =	sst s2  }
0x8f: {  	_ = 	snop  }
0x90: {  	s18 =	sld [smem:$0x3FD0];
	(tm) =	ssettm $0x1  }
0x91: {  	s19 =	sld [smem:$0x3FFB];
	_ =	sdelay $0x3  }
0x92: {  	_ =	strace s19  }
0x93: {  	s2 =	sld [smem:$0x3FFC];
	_ =	sdelay $0x3  }
0x94: {  	_ =	strace s2  }
0x95: {  	s2 =	sld [smem:$0x3FFD];
	_ =	sdelay $0x3  }
0x96: {  	_ =	strace s2  }
0x97: {  	_ =	strace $0x8FFFFFFF  }
0x98: {  	s20 =	sld [smem:$0x3FDB];
	_ =	sdelay $0x1  }
0x99: {  	s4 =	simm.s32 $_scs_section_size  }
0x9a: {  	s5 =	simm.s32 $_size__tile_overlayer_lowered;
	s6 =	simm.s32 $_tile_overlayer_lowered  }
0x9b: {  	s7 =	simm.s32 $0x1BFF;
	s21 =	sshll.u32 s6, $0x1;
	s4 =	sadd.s32 s4, s20  }
0x9c: {  	s22 =	simm.s32 $0x0;
	s5 =	sshll.u32 s5, $0x1;
	s6 =	sadd.s32 s21, s4  }
0x9d: {  	[timem:s22], [sflag:s7] =	dma.local [hbm:s6], s5  }
0x9e: {  	_ =	swait.ge [sflag:s7], s5  }
0x9f: {  	s5 =	ssub.s32 $0x0, s5;
	[sflag:s7] =	ssyncset.done $0x0  }
0xa0: {  	[sflag:s7] =	ssyncadd.s32 s5;
	_ =	sdelay $0x1  }
0xa1: {  	s23 =	simm.s32 $0x1B8B  }
0xa2: {  	_ =	swait.ge [sflag:s23], $0x1  }
0xa3: {  	[sflag:s23] =	ssyncset.done $0x0  }
0xa4: {  	[sflag:s23] =	ssyncadd.s32 $0xFFFFFFFF  }
0xa5: {  	s5 =	sld [smem:$0x0]  }
0xa6: {  	s6 =	sand.u32 $0xFFFFFFFE, s1  }
0xa7: {  	p0 =	sne.s32 s1, s6  }
0xa8: {  	s6 =	sshll.u32 @p0 s6, $0xE  }
0xa9: {  	s6 =	sadd.s32 @p0 $0x11B8D, s6;
	s7 =	sshll.u32 @p0 s5, $0x11  }
0xaa: {  	s6 =	sor.u32 @p0 s7, s6  }
0xab: {  	[sflag:s6] =	ssyncadd.remote.s32 @p0 $0x1;
	_ =	sdelay $0x1  }
0xac: {  	s6 =	simm.s32 @p0 $0x1B8D  }
0xad: {  	_ =	swait.eq @p0 [sflag:s6], $0x1  }
0xae: {  	[sflag:s6] =	ssyncadd.s32 @p0 $0xFFFFFFFF  }
0xaf: {  	s7 =	sshll.u32 @!p0 s1, $0xE  }
0xb0: {  	s7 =	sor.u32 @!p0 $0x4000, s7;
	s6 =	simm.s32 @!p0 $0x1B8D  }
0xb1: {  	s5 =	sshll.u32 @!p0 s5, $0x11;
	s7 =	sadd.s32 @!p0 $0x11B8D, s7;
	_ =	swait.eq @!p0 [sflag:s6], $0x1  }
0xb2: {  	s5 =	sor.u32 @!p0 s5, s7;
	[sflag:s6] =	ssyncadd.s32 @!p0 $0xFFFFFFFF  }
0xb3: {  	s25 =	simm.s32 $0x1B8E;
	s24 =	sld [smem:$0x3FFE];
	[sflag:s5] =	ssyncadd.remote.s32 @!p0 $0x1  }
0xb4: {  	s26 =	simm.s32 $execute0_lowered;
	[smem:$0x3FD2] =	sst s25  }
0xb5: {  	s6 =	sshll.u32 s26, $0x1;
	_ =	strace $0x80000049;
	[dreg:$0x1] =	wrdreg $0xFFFFFFFF  }
0xb6: {  	s28 =	simm.s32 $_size_execute0_lowered;
	s4 =	sadd.s32 s4, s6;
	[dreg:$0x0] =	wrdreg $0x0  }
0xb7: {  	s6 =	sshll.u32 s28, $0x1;
	[dreg:$0x2] =	wrdreg s4  }
0xb8: {  	[dreg:$0x3] =	wrdreg s6  }
0xb9: {  	[dreg:$0x4] =	wrdreg $0xC0  }
0xba: {  	_ =	task [dreg:s22], $0x5FFFF  }
0xbb: {  	[dreg:$0x1] =	wrdreg $0xFFFFFFFF  }
0xbc: {  	[dreg:$0x0] =	wrdreg $0x60  }
0xbd: {  	[dreg:$0x2] =	wrdreg s24  }
0xbe: {  	[dreg:$0x3] =	wrdreg s18  }
0xbf: {  	[dreg:$0x4] =	wrdreg $0x21000  }
0xc0: {  	[dreg:$0x5] =	wrdreg $0x9  }
0xc1: {  	_ =	task.clear_ibuf [dreg:s22], $0x6FFFF;
	_ =	strace $0x90000049  }
0xc2: {  	s29 =	simm.s32 $0x9;
	_ =	strace $0x8000004B  }
0xc3: {  	_ =	swait.ge [sflag:s29], $0x1  }
0xc4: {  	[sflag:s29] =	ssyncadd.s32 $0xFFFFFFFF  }
0xc5: {  	_ =	strace $0x9000004B  }
0xc6: {  	_ =	sfence  }
0xc7: {  	s30 =	sld [smem:$0x0];
	_ =	sdelay $0x2  }
0xc8: {  	s31 =	sshll.u32 s1, $0xD;
	s1 =	sshrl.u32 s1, $0x2  }
0xc9: {  	s4 =	sand.u32 $0x4000, s31;
	s1 =	sadd.s32 s1, s30  }
0xca: {  	s0 =	sor.u32 s4, s0;
	s1 =	sshll.u32 s1, $0x11  }
0xcb: {  	s0 =	sor.u32 s1, s0  }
0xcc: {  	s0 =	sadd.s32 $0x8F2B, s0  }
0xcd: {  	[sflag:s0] =	ssyncadd.remote.s32 $0x1  }
0xce: {  	_ =	sfence.sel $0xFFFF  }
0xcf: {  	[dreg:$0x0] =	wrdreg $0xFFFFFFFF;
	(pc) =	sbr.abs _section_cstart, $3  }
0xd0: {  	[dreg:$0x1] =	wrdreg $0xFFFFFFFF  }
0xd1: {  	_ =	task.clear_ibuf [dreg:s22], $0x2FFFF;
	_ =	strace $0x9FFFFFFF  }
0xd2: {  	(tm) =	ssettm $0x7FFFFFFF  }
0xd3: {  	_ =	shalt  }
tec
execute0_lowered:
.L_overlay_start_1:
0x0: {  	(tag) =	ssettag $0x1  }
0x1: {  	s6 =	rddreg [dreg:$0x0]  }
0x2: {  	s1 =	rddreg [dreg:$0x1]  }
0x3: {  	s2 =	rddreg [dreg:$0x2]  }
0x4: {  	s3 =	srdreg.scid;
	s0 =	rddreg [dreg:$0x3]  }
0x5: {  	s4 =	simm.s32 $0x0;
	s16 =	simm.s32 $0x80;
	s7 =	sand.u32 $0x1, s3  }
0x6: {  	s17 =	simm.s32 $0x1;
	s3 =	stileid.u32;
	s5 =	smul.u32 $0x140000, s7  }
0x7: {  	s18 =	simm.s32 $0x40;
	s19 =	simm.s32 $0x2;
	s8 =	smul.u32 $0x14000, s3  }
0x8: {  	s20 =	simm.s32 $0x0;
	[smem:$0x7FF] =	sst s4;
	s10 =	smul.u32 $0x50000, s3  }
0x9: {  	s11 =	sadd.s32 $0xC800, s6;
	s9 =	sshll.u32 s3, $0x1;
	s12 =	smul.u32 $0x5000, s3  }
0xa: {  	_ =	strace $0x8000004A;
	s26 =	ssub.s32 $0x2, s7;
	s14 =	smul.u32 $0x2800, s7  }
0xb: {  	s31 =	sshll.u32 s3, $0x6;
	s9 =	sor.u32 s7, s9;
	s13 =	sshrl.u32 s26, $0x1  }
0xc: {  	s8 =	sadd.s32 s8, s5;
	s9 =	smul.u32 $0x2800, s9;
	s5 =	sadd.s32 $0x66800, s6  }
0xd: {  	s13 =	ssub.s32 s26, s13;
	s28 =	sshrl.u32 s10, $0x2;
	s29 =	sadd.s32 s14, s12  }
0xe: {  	s14 =	sor.u32 $0x1C03, s31;
	s8 =	sshrl.u32 s8, $0x3;
	s15 =	sadd.s32 s28, s2  }
0xf: {  	s30 =	sor.u32 $0xC0, s29;
	s12 =	sor.u32 $0x80, s29;
	s8 =	sadd.s32 s8, s6  }
0x10: {  	s9 =	sshrl.u32 s9, $0x3;
	s10 =	sshrl.u32 s30, $0x3;
	s12 =	sshrl.u32 s12, $0x3  }
0x11: {  	s15 =	sshrl.u32 s15, $0x3;
	s6 =	sadd.s32 s11, s9;
	s8 =	sadd.s32 $0x66C00, s8  }
0x12: {  	s9 =	smax.u32 s13, $0x1;
	s10 =	sadd.s32 s10, s11;
	s11 =	sadd.s32 s12, s11  }
0x13: {  	s12 =	simm.s32 $0x100;
	s13 =	simm.s32 $0x3;
	s7 =	sadd.s32 $0x8, s6  }
.LBB2_1:
0x14: {  	[tilespmem:s12], [sflag:$0x3] =	stream.linear.gather [hbm4b:s5+s4], $0x2000, $0x38;
	[tilespmem:$0x16100] =	vst v63  }
0x15: {  	_ =	swait.ge [sflag:s13], $0x2000  }
0x16: {  	[sflag:s13] =	ssyncset.done $0x0  }
0x17: {  	[sflag:s13] =	ssyncadd.s32 $0xFFFFE000  }
0x18: {  	[spmem:s15], [sflag:s14] =	dma.local [hbm:s1], $0x2800  }
0x19: {  	_ =	swait.ge [sflag:s13], $0x2800  }
0x1a: {  	[sflag:s13] =	ssyncset.done $0x0  }
0x1b: {  	[sflag:s13] =	ssyncadd.s32 $0xFFFFD800  }
0x1c: {  	[tilespmem:s4], [sflag:$0x1] =	stream.linear.gather [hbm4b:s6+s4], $0x40, $0x38;
	[tilespmem:$0x16100] =	vst v63  }
0x1d: {  	_ = 	snop  }
0x1e: {  	[tilespmem:s16], [sflag:$0x2] =	stream.linear.gather [hbm4b:s7+s4], $0x40, $0x38;
	[tilespmem:$0x16100] =	vst v63  }
0x1f: {  	[bflag:$0x0] =	sbarrier.arrive $0xFFFF  }
0x20: {  	_ =	swait.ge [sflag:s17], $0x40  }
0x21: {  	[sflag:s17] =	ssyncset.done $0x0  }
0x22: {  	[sflag:s17] =	ssyncadd.s32 $0xFFFFFFC0  }
0x23: {  	[spmem:s2] =	stream.indirect.scatter.add.f32 [tilespmem:s12], [sflag:$0x3], $0x80, s4, s18, $0xb8;
	[tilespmem:$0x16100] =	vst v63  }
0x24: {  	_ =	swait.ge [sflag:s13], $0x2000  }
0x25: {  	[sflag:s13] =	ssyncset.done $0x0  }
0x26: {  	s21 =	sadd.s32 $0x0, s11;
	[sflag:s13] =	ssyncadd.s32 $0xFFFFE000  }
0x27: {  	[tilespmem:s4], [sflag:$0x1] =	stream.linear.gather [hbm4b:s21+s4], $0x40, $0x38;
	[tilespmem:$0x16100] =	vst v63  }
0x28: {  	_ =	swait.ge [sflag:s19], $0x40  }
0x29: {  	[sflag:s19] =	ssyncset.done $0x0  }
0x2a: {  	[sflag:s19] =	ssyncadd.s32 $0xFFFFFFC0  }
0x2b: {  	[spmem:s2] =	stream.indirect.scatter.add.f32 [tilespmem:s12], [sflag:$0x3], $0x80, s16, s18, $0xb8;
	[tilespmem:$0x16100] =	vst v63  }
0x2c: {  	_ =	swait.ge [sflag:s13], $0x2000  }
0x2d: {  	[sflag:s13] =	ssyncset.done $0x0  }
0x2e: {  	s22 =	sadd.s32 $0x0, s10;
	s21 =	simm.s32 $0x10;
	[sflag:s13] =	ssyncadd.s32 $0xFFFFE000  }
.LBB2_2:
0x2f: {  	[tilespmem:s16], [sflag:$0x2] =	stream.linear.gather [hbm4b:s22+s4], $0x40, $0x38;
	[tilespmem:$0x16100] =	vst v63  }
0x30: {  	s22 =	smov.u32 s21  }
0x31: {  	p0 =	sne.s32 s21, $0x4E0;
	s21 =	sadd.s32 $0x10, s21;
	_ =	swait.ge [sflag:s17], $0x40  }
0x32: {  	[sflag:s17] =	ssyncset.done $0x0  }
0x33: {  	[sflag:s17] =	ssyncadd.s32 $0xFFFFFFC0  }
0x34: {  	[spmem:s2] =	stream.indirect.scatter.add.f32 [tilespmem:s12], [sflag:$0x3], $0x80, s4, s18, $0xb8;
	[tilespmem:$0x16100] =	vst v63  }
0x35: {  	_ =	swait.ge [sflag:s13], $0x2000  }
0x36: {  	[sflag:s13] =	ssyncset.done $0x0  }
0x37: {  	s23 =	sadd.s32 s22, s11;
	[sflag:s13] =	ssyncadd.s32 $0xFFFFE000  }
0x38: {  	[tilespmem:s4], [sflag:$0x1] =	stream.linear.gather [hbm4b:s23+s4], $0x40, $0x38;
	[tilespmem:$0x16100] =	vst v63  }
0x39: {  	_ =	swait.ge [sflag:s19], $0x40  }
0x3a: {  	[sflag:s19] =	ssyncset.done $0x0  }
.Ltmp0:
0x3b: {  	[sflag:s19] =	ssyncadd.s32 $0xFFFFFFC0;
	(pc) =	sbr.rel @p0 .LBB2_2-.Ltmp0, $4  }
0x3c: {  	[spmem:s2] =	stream.indirect.scatter.add.f32 [tilespmem:s12], [sflag:$0x3], $0x80, s16, s18, $0xb8;
	[tilespmem:$0x16100] =	vst v63  }
0x3d: {  	_ =	swait.ge [sflag:s13], $0x2000  }
0x3e: {  	[sflag:s13] =	ssyncset.done $0x0  }
0x3f: {  	s22 =	sadd.s32 s22, s10;
	[sflag:s13] =	ssyncadd.s32 $0xFFFFE000  }
0x40: {  	[tilespmem:s16], [sflag:$0x2] =	stream.linear.gather [hbm4b:s22+s4], $0x40, $0x38;
	[tilespmem:$0x16100] =	vst v63  }
0x41: {  	_ =	swait.ge [sflag:s17], $0x40  }
0x42: {  	[sflag:s17] =	ssyncset.done $0x0  }
0x43: {  	[sflag:s17] =	ssyncadd.s32 $0xFFFFFFC0  }
0x44: {  	[spmem:s2] =	stream.indirect.scatter.add.f32 [tilespmem:s12], [sflag:$0x3], $0x80, s4, s18, $0xb8;
	[tilespmem:$0x16100] =	vst v63  }
0x45: {  	_ =	swait.ge [sflag:s13], $0x2000  }
0x46: {  	[sflag:s13] =	ssyncset.done $0x0  }
0x47: {  	[sflag:s13] =	ssyncadd.s32 $0xFFFFE000  }
0x48: {  	_ =	swait.ge [sflag:s19], $0x40  }
0x49: {  	[sflag:s19] =	ssyncset.done $0x0  }
0x4a: {  	[sflag:s19] =	ssyncadd.s32 $0xFFFFFFC0  }
0x4b: {  	[spmem:s2] =	stream.indirect.scatter.add.f32 [tilespmem:s12], [sflag:$0x3], $0x80, s16, s18, $0xb8;
	[tilespmem:$0x16100] =	vst v63  }
0x4c: {  	_ =	swait.ge [sflag:s13], $0x2000  }
0x4d: {  	s20 =	sadd.s32 $0x1, s20;
	[sflag:s13] =	ssyncset.done $0x0  }
0x4e: {  	p0 =	sne.s32 s20, s9;
	[sflag:s13] =	ssyncadd.s32 $0xFFFFE000  }
.Ltmp1:
0x4f: {  	[bflag:$0x0] =	sbarrier.arrive $0xFFFF;
	(pc) =	sbr.rel @p0 .LBB2_1-.Ltmp1, $4  }
0x50: {  	[hbm:s8], [sflag:s14] =	dma.local [spmem:s15], $0x2800  }
0x51: {  	_ =	swait.ge [sflag:s13], $0x2800  }
0x52: {  	[sflag:s13] =	ssyncset.done $0x0  }
0x53: {  	[sflag:s13] =	ssyncadd.s32 $0xFFFFD800  }
0x54: {  	_ =	sfence.sel $0x180000  }
0x55: {  	[bflag:$0x0] =	sbarrier.arrive $0xFFFF  }
0x56: {  	p0 =	sne.s32 s3, $0x0;
	_ =	strace $0x9000004A  }
0x57: {  	s0 =	sadd.s32 @!p0 $0x100000, s0;
	[bflag:$0x2] =	sbarrier.arrive $0xFFFF  }
0x58: {  	[sflag:s0] =	ssyncadd.tile.s32 @!p0 $0x1;
	_ =	shalt  }
.Lfunc_end2:
_tile_overlayer_lowered:
.L_overlay_start_2:
0x59: {  	(tag) =	ssettag $0x2  }
0x5a: {  	s0 =	rddreg [dreg:$0x0];
	s2 =	stileid.u32  }
0x5b: {  	s1 =	rddreg [dreg:$0x1];
	p0 =	sne.s32 s2, $0x0  }
0x5c: {  	s3 =	rddreg [dreg:$0x2];
	[bflag:$0x3] =	sbarrier.arrive $0xFFFF;
	s2 =	simm.s32 @!p0 $0x1C03  }
0x5d: {  	[timem:s3], [sflag:s2] =	dma.local @!p0 [hbm:s0], s1  }
0x5e: {  	s0 =	simm.s32 @!p0 $0x3  }
0x5f: {  	_ =	swait.ge @!p0 [sflag:s0], s1  }
0x60: {  	s1 =	ssub.s32 @!p0 $0x0, s1;
	[sflag:s0] =	ssyncset.done @!p0 $0x0  }
0x61: {  	[sflag:s0] =	ssyncadd.s32 @!p0 s1  }
0x62: {  	[bflag:$0x3] =	sbarrier.arrive $0xFFFF  }
0x63: {  	_ =	shalt  }

</sc_bundles>
